<compile_context>
chip_gen: v7x
topology: tpu7x:2x2x1
jax: 0.10.2.dev20260603
libtpu: 0.0.44.dev20260713+nightly
codegen_flags: <defaults>
</compile_context>

<pallas_src>
import jax
import jax.numpy as jnp
from jax import lax
from jax.experimental import pallas as pl
from jax.experimental.pallas import tpu as pltpu
from jax.experimental.pallas import tpu_sc as plsc

NC = 2
NS = 16
NW = NC * NS

G1 = 128
RING = 4
LOOKAHEAD = 3


def _make_sc_call(batch, seq, embed, vocab):
    bpw = batch // NW
    assert bpw % RING == 0
    g2 = seq - G1

    def body(idx_hbm, table_hbm, pe_hbm, out_hbm, idx_v, pe_v,
             r0, r1, r2, r3, g0, g1, g2s, g3, s0, s1, s2, s3):
        rows = (r0, r1, r2, r3)
        gsem = (g0, g1, g2s, g3)
        ssem = (s0, s1, s2, s3)
        cid = lax.axis_index("c")
        sid = lax.axis_index("s")
        wid = sid * NC + cid
        base = wid * bpw

        pltpu.sync_copy(idx_hbm.at[pl.ds(base, bpw)], idx_v)
        pltpu.sync_copy(pe_hbm, pe_v)

        def gathers(t, b):
            return (
                pltpu.make_async_copy(
                    table_hbm.at[idx_v.at[t, pl.ds(0, G1)]],
                    rows[b].at[pl.ds(0, G1)], gsem[b]),
                pltpu.make_async_copy(
                    table_hbm.at[idx_v.at[t, pl.ds(G1, g2)]],
                    rows[b].at[pl.ds(G1, g2)], gsem[b]),
            )

        def start_gather(t, b):
            ga, gb = gathers(t, b)
            ga.start()
            gb.start()

        def wait_gather(t, b):
            ga, gb = gathers(t, b)
            ga.wait()
            gb.wait()

        def store(t, b):
            return pltpu.make_async_copy(rows[b], out_hbm.at[base + t], ssem[b])

        for t in range(LOOKAHEAD):
            start_gather(t, t)

        nvec = embed // 16

        def outer(t0, carry):
            for b in range(RING):
                t = t0 * RING + b
                wait_gather(t, b)

                def row_body(r, _, b=b):
                    for k in range(nvec):
                        sl = pl.ds(k * 16, 16)
                        rows[b][r, sl] = rows[b][r, sl] + pe_v[r, sl]
                    return 0

                lax.fori_loop(0, seq, row_body, 0, unroll=4)
                store(t, b).start()

                tn = t + LOOKAHEAD
                bn = (b + LOOKAHEAD) % RING

                @pl.when(tn < bpw)
                def _(tn=tn, bn=bn):
                    @pl.when(tn >= RING)
                    def _():
                        store(tn - RING, bn).wait()
                    start_gather(tn, bn)
            return carry

        lax.fori_loop(0, bpw // RING, outer, 0)

        for b in range(RING):
            store(bpw - RING + b, b).wait()

    return pl.kernel(
        body,
        out_type=jax.ShapeDtypeStruct((batch, seq, embed), jnp.float32),
        mesh=plsc.VectorSubcoreMesh(core_axis_name="c", subcore_axis_name="s"),
        compiler_params=pltpu.CompilerParams(use_tc_tiling_on_sc=False),
        scratch_types=[
            pltpu.VMEM((bpw, seq), jnp.int32),
            pltpu.VMEM((seq, embed), jnp.float32),
            pltpu.VMEM((seq, embed), jnp.float32),
            pltpu.VMEM((seq, embed), jnp.float32),
            pltpu.VMEM((seq, embed), jnp.float32),
            pltpu.VMEM((seq, embed), jnp.float32),
            pltpu.SemaphoreType.DMA,
            pltpu.SemaphoreType.DMA,
            pltpu.SemaphoreType.DMA,
            pltpu.SemaphoreType.DMA,
            pltpu.SemaphoreType.DMA,
            pltpu.SemaphoreType.DMA,
            pltpu.SemaphoreType.DMA,
            pltpu.SemaphoreType.DMA,
        ],
    )


def _pos_encoding(seq_len, d_model):
    pos = jnp.arange(1, 1 + seq_len, dtype=jnp.float32)
    power = jnp.arange(0, d_model, 2, dtype=jnp.float32) / d_model
    divisor = jnp.power(10000.0, power)
    angles = pos[:, None] / divisor[None, :]
    return jnp.stack([jnp.sin(angles), jnp.cos(angles)], axis=-1).reshape(
        seq_len, d_model)


def kernel(inputs, table):
    batch, seq = inputs.shape
    vocab, embed = table.shape
    assert batch % NW == 0

    pe = _pos_encoding(seq, embed)
    call = _make_sc_call(batch, seq, embed, vocab)
    return call(inputs, table, pe)

# --- scband reference (transcript-rebuilt; emitter-appended) ---
"""Pipeline reference for scband-transformer-input-embedding-6493990551719 (READ-ONLY COPY).

The authoritative reference and input builder live on the scoring server;
editing this copy changes nothing except your own understanding.
"""

import jax, jax.numpy as jnp
import numpy as np

VOCAB = 1000000
EMBED = 64
BATCH = 4096
SEQ = 200


def _position_encoding(seq_len, d_model, start=1):
    # Sinusoidal position embedding (rinokeras-style): interleaved sin/cos,
    # positions starting at `start` (default 1 in the original call()).
    pos = jnp.arange(start, start + seq_len, dtype=jnp.float32)
    power = jnp.arange(0, d_model, 2, dtype=jnp.float32) / d_model
    divisor = jnp.power(10000.0, power)
    angles = pos[:, None] / divisor[None, :]  # [seq_len, d_model//2]
    sin = jnp.sin(angles)
    cos = jnp.cos(angles)
    pe = jnp.stack([sin, cos], axis=-1).reshape(seq_len, d_model)
    return pe


def setup_inputs(seed: int = 0) -> dict:
    key = jax.random.key(seed)
    k1, k2 = jax.random.split(key)
    indices = jax.random.randint(k1, (BATCH, SEQ), 0, VOCAB, dtype=jnp.int32)
    # Learned embedding table (Embedding(n_symbols, embed_size)), default uniform init.
    table = jax.random.uniform(k2, (VOCAB, EMBED), dtype=jnp.float32, minval=-0.05, maxval=0.05)
    return {"inputs": indices, "table": table}


def reference(inputs, table):
    # embedding lookup
    embedding = jnp.take(table, inputs, axis=0)  # [B, S, E]
    # embedding_dense is identity Lambda; dropout is a no-op at inference;
    # batch_norm disabled. Additive sinusoidal position encoding (concat=False).
    pe = _position_encoding(embedding.shape[1], embedding.shape[2], start=1)
    return embedding + pe[None, :, :]

if __name__ == "__main__":
    import jax
    _d = setup_inputs()
    print(jax.jit(kernel)(*tuple(_d.values())))

</pallas_src>

<mosaic_0001>
#map = affine_map<(d0, d1) -> (0, 0)>
#map1 = affine_map<(d0, d1) -> (0, 0, 0)>
module attributes {stable_mosaic.version = 14 : i64} {
  func.func @body(%arg0: i32, %arg1: i32, %arg2: memref<4096x200xi32, #tpu.memory_space<hbm>>, %arg3: memref<1000000x64xf32, #tpu.memory_space<hbm>>, %arg4: memref<200x64xf32, #tpu.memory_space<hbm>>, %arg5: memref<4096x200x64xf32, #tpu.memory_space<hbm>>, %arg6: memref<128x200xi32, #tpu.memory_space<vmem>>, %arg7: memref<200x64xf32, #tpu.memory_space<vmem>>, %arg8: memref<200x64xf32, #tpu.memory_space<vmem>>, %arg9: memref<200x64xf32, #tpu.memory_space<vmem>>, %arg10: memref<200x64xf32, #tpu.memory_space<vmem>>, %arg11: memref<200x64xf32, #tpu.memory_space<vmem>>, %arg12: memref<!tpu.dma_semaphore, #tpu.memory_space<semaphore_mem>>, %arg13: memref<!tpu.dma_semaphore, #tpu.memory_space<semaphore_mem>>, %arg14: memref<!tpu.dma_semaphore, #tpu.memory_space<semaphore_mem>>, %arg15: memref<!tpu.dma_semaphore, #tpu.memory_space<semaphore_mem>>, %arg16: memref<!tpu.dma_semaphore, #tpu.memory_space<semaphore_mem>>, %arg17: memref<!tpu.dma_semaphore, #tpu.memory_space<semaphore_mem>>, %arg18: memref<!tpu.dma_semaphore, #tpu.memory_space<semaphore_mem>>, %arg19: memref<!tpu.dma_semaphore, #tpu.memory_space<semaphore_mem>>) attributes {dimension_semantics = [#tpu.dimension_semantics<core_parallel>, #tpu.dimension_semantics<subcore_parallel>], iteration_bounds = array<i64: 2, 16>, scalar_prefetch = 0 : i64, scratch_operands = 14 : i64, tpu.core_type = #tpu.core_type<sc_vector_subcore>, window_params = [{transform_indices = #map}, {transform_indices = #map}, {transform_indices = #map}, {transform_indices = #map1}]} {
    %mul3A = arith.constant 2 : i32
    %mul3A_0 = arith.muli %arg1, %mul3A : i32
    %add3A = arith.addi %mul3A_0, %arg0 : i32
    %mul3A_1 = arith.constant 128 : i32
    %mul3A_2 = arith.muli %add3A, %mul3A_1 : i32
    "tpu.region"() ({
      %run_scoped3A = tpu.sem_alloc : memref<!tpu.dma_semaphore, #tpu.memory_space<semaphore_mem>>
      %dma_start3A_106 = arith.constant 0 : i32
      %dma_start3A_107 = tpu.memref_slice %arg2[%mul3A_2, %dma_start3A_106] : memref<4096x200xi32, #tpu.memory_space<hbm>> -> memref<128x200xi32, #tpu.memory_space<hbm>>
      %dma_start3A_108 = arith.constant 0 : i32
      %dma_start3A_109 = tpu.memref_slice %arg2[%mul3A_2, %dma_start3A_108] : memref<4096x200xi32, #tpu.memory_space<hbm>> -> memref<128x200xi32, #tpu.memory_space<hbm>>
      tpu.enqueue_dma source(%dma_start3A_109 : memref<128x200xi32, #tpu.memory_space<hbm>>) target(%arg6 : memref<128x200xi32, #tpu.memory_space<vmem>>) target_semaphore(%run_scoped3A : memref<!tpu.dma_semaphore, #tpu.memory_space<semaphore_mem>>)
      %dma_wait3A_110 = arith.constant 0 : i32
      %dma_wait3A_111 = tpu.memref_slice %arg2[%mul3A_2, %dma_wait3A_110] : memref<4096x200xi32, #tpu.memory_space<hbm>> -> memref<128x200xi32, #tpu.memory_space<hbm>>
      %dma_wait3A_112 = arith.constant 0 : i32
      %dma_wait3A_113 = tpu.memref_slice %arg2[%mul3A_2, %dma_wait3A_112] : memref<4096x200xi32, #tpu.memory_space<hbm>> -> memref<128x200xi32, #tpu.memory_space<hbm>>
      tpu.wait_dma2 semaphore(%run_scoped3A : memref<!tpu.dma_semaphore, #tpu.memory_space<semaphore_mem>>) src(%dma_wait3A_113 : memref<128x200xi32, #tpu.memory_space<hbm>>) dst(%arg6 : memref<128x200xi32, #tpu.memory_space<vmem>>)
      tpu.yield
    }) : () -> ()
    "tpu.region"() ({
      %run_scoped3A = tpu.sem_alloc : memref<!tpu.dma_semaphore, #tpu.memory_space<semaphore_mem>>
      tpu.enqueue_dma source(%arg4 : memref<200x64xf32, #tpu.memory_space<hbm>>) target(%arg7 : memref<200x64xf32, #tpu.memory_space<vmem>>) target_semaphore(%run_scoped3A : memref<!tpu.dma_semaphore, #tpu.memory_space<semaphore_mem>>)
      tpu.wait_dma2 semaphore(%run_scoped3A : memref<!tpu.dma_semaphore, #tpu.memory_space<semaphore_mem>>) src(%arg4 : memref<200x64xf32, #tpu.memory_space<hbm>>) dst(%arg7 : memref<200x64xf32, #tpu.memory_space<vmem>>)
      tpu.yield
    }) : () -> ()
    %dma_start3A = arith.constant 0 : i32
    %dma_start3A_3 = arith.constant 0 : i32
    %dma_start3A_4 = arith.constant 0 : i32
    %dma_start3A_5 = tpu.memref_slice %arg8[%dma_start3A_3, %dma_start3A_4] : memref<200x64xf32, #tpu.memory_space<vmem>> -> memref<128x64xf32, #tpu.memory_space<vmem>>
    %dma_start3A_6 = arith.constant 0 : i32
    %dma_start3A_7 = tpu.memref_slice %arg6[%dma_start3A, %dma_start3A_6] : memref<128x200xi32, #tpu.memory_space<vmem>> -> memref<1x128xi32, #tpu.memory_space<vmem>>
    %dma_start3A_8 = tpu.memref_squeeze %dma_start3A_7 : memref<1x128xi32, #tpu.memory_space<vmem>> -> memref<128xi32, #tpu.memory_space<vmem>>
    %dma_start3A_9 = arith.constant 0 : i32
    %dma_start3A_10 = arith.constant 0 : i32
    %dma_start3A_11 = tpu.memref_slice %arg3[%dma_start3A_9, %dma_start3A_10] : memref<1000000x64xf32, #tpu.memory_space<hbm>> -> memref<1000000x64xf32, #tpu.memory_space<hbm>>
    tpu.enqueue_indirect_dma source(%dma_start3A_11 : memref<1000000x64xf32, #tpu.memory_space<hbm>>) target(%dma_start3A_5 : memref<128x64xf32, #tpu.memory_space<vmem>>) offsets(%dma_start3A_8 : memref<128xi32, #tpu.memory_space<vmem>>) semaphore(%arg12 : memref<!tpu.dma_semaphore, #tpu.memory_space<semaphore_mem>>)
    %dma_start3A_12 = arith.constant 0 : i32
    %dma_start3A_13 = arith.constant 128 : i32
    %dma_start3A_14 = arith.constant 0 : i32
    %dma_start3A_15 = tpu.memref_slice %arg8[%dma_start3A_13, %dma_start3A_14] : memref<200x64xf32, #tpu.memory_space<vmem>> -> memref<72x64xf32, #tpu.memory_space<vmem>>
    %dma_start3A_16 = arith.constant 128 : i32
    %dma_start3A_17 = tpu.memref_slice %arg6[%dma_start3A_12, %dma_start3A_16] : memref<128x200xi32, #tpu.memory_space<vmem>> -> memref<1x72xi32, #tpu.memory_space<vmem>>
    %dma_start3A_18 = tpu.memref_squeeze %dma_start3A_17 : memref<1x72xi32, #tpu.memory_space<vmem>> -> memref<72xi32, #tpu.memory_space<vmem>>
    %dma_start3A_19 = arith.constant 0 : i32
    %dma_start3A_20 = arith.constant 0 : i32
    %dma_start3A_21 = tpu.memref_slice %arg3[%dma_start3A_19, %dma_start3A_20] : memref<1000000x64xf32, #tpu.memory_space<hbm>> -> memref<1000000x64xf32, #tpu.memory_space<hbm>>
    tpu.enqueue_indirect_dma source(%dma_start3A_21 : memref<1000000x64xf32, #tpu.memory_space<hbm>>) target(%dma_start3A_15 : memref<72x64xf32, #tpu.memory_space<vmem>>) offsets(%dma_start3A_18 : memref<72xi32, #tpu.memory_space<vmem>>) semaphore(%arg12 : memref<!tpu.dma_semaphore, #tpu.memory_space<semaphore_mem>>)
    %dma_start3A_22 = arith.constant 1 : i32
    %dma_start3A_23 = arith.constant 0 : i32
    %dma_start3A_24 = arith.constant 0 : i32
    %dma_start3A_25 = tpu.memref_slice %arg9[%dma_start3A_23, %dma_start3A_24] : memref<200x64xf32, #tpu.memory_space<vmem>> -> memref<128x64xf32, #tpu.memory_space<vmem>>
    %dma_start3A_26 = arith.constant 0 : i32
    %dma_start3A_27 = tpu.memref_slice %arg6[%dma_start3A_22, %dma_start3A_26] : memref<128x200xi32, #tpu.memory_space<vmem>> -> memref<1x128xi32, #tpu.memory_space<vmem>>
    %dma_start3A_28 = tpu.memref_squeeze %dma_start3A_27 : memref<1x128xi32, #tpu.memory_space<vmem>> -> memref<128xi32, #tpu.memory_space<vmem>>
    %dma_start3A_29 = arith.constant 0 : i32
    %dma_start3A_30 = arith.constant 0 : i32
    %dma_start3A_31 = tpu.memref_slice %arg3[%dma_start3A_29, %dma_start3A_30] : memref<1000000x64xf32, #tpu.memory_space<hbm>> -> memref<1000000x64xf32, #tpu.memory_space<hbm>>
    tpu.enqueue_indirect_dma source(%dma_start3A_31 : memref<1000000x64xf32, #tpu.memory_space<hbm>>) target(%dma_start3A_25 : memref<128x64xf32, #tpu.memory_space<vmem>>) offsets(%dma_start3A_28 : memref<128xi32, #tpu.memory_space<vmem>>) semaphore(%arg13 : memref<!tpu.dma_semaphore, #tpu.memory_space<semaphore_mem>>)
    %dma_start3A_32 = arith.constant 1 : i32
    %dma_start3A_33 = arith.constant 128 : i32
    %dma_start3A_34 = arith.constant 0 : i32
    %dma_start3A_35 = tpu.memref_slice %arg9[%dma_start3A_33, %dma_start3A_34] : memref<200x64xf32, #tpu.memory_space<vmem>> -> memref<72x64xf32, #tpu.memory_space<vmem>>
    %dma_start3A_36 = arith.constant 128 : i32
    %dma_start3A_37 = tpu.memref_slice %arg6[%dma_start3A_32, %dma_start3A_36] : memref<128x200xi32, #tpu.memory_space<vmem>> -> memref<1x72xi32, #tpu.memory_space<vmem>>
    %dma_start3A_38 = tpu.memref_squeeze %dma_start3A_37 : memref<1x72xi32, #tpu.memory_space<vmem>> -> memref<72xi32, #tpu.memory_space<vmem>>
    %dma_start3A_39 = arith.constant 0 : i32
    %dma_start3A_40 = arith.constant 0 : i32
    %dma_start3A_41 = tpu.memref_slice %arg3[%dma_start3A_39, %dma_start3A_40] : memref<1000000x64xf32, #tpu.memory_space<hbm>> -> memref<1000000x64xf32, #tpu.memory_space<hbm>>
    tpu.enqueue_indirect_dma source(%dma_start3A_41 : memref<1000000x64xf32, #tpu.memory_space<hbm>>) target(%dma_start3A_35 : memref<72x64xf32, #tpu.memory_space<vmem>>) offsets(%dma_start3A_38 : memref<72xi32, #tpu.memory_space<vmem>>) semaphore(%arg13 : memref<!tpu.dma_semaphore, #tpu.memory_space<semaphore_mem>>)
    %dma_start3A_42 = arith.constant 2 : i32
    %dma_start3A_43 = arith.constant 0 : i32
    %dma_start3A_44 = arith.constant 0 : i32
    %dma_start3A_45 = tpu.memref_slice %arg10[%dma_start3A_43, %dma_start3A_44] : memref<200x64xf32, #tpu.memory_space<vmem>> -> memref<128x64xf32, #tpu.memory_space<vmem>>
    %dma_start3A_46 = arith.constant 0 : i32
    %dma_start3A_47 = tpu.memref_slice %arg6[%dma_start3A_42, %dma_start3A_46] : memref<128x200xi32, #tpu.memory_space<vmem>> -> memref<1x128xi32, #tpu.memory_space<vmem>>
    %dma_start3A_48 = tpu.memref_squeeze %dma_start3A_47 : memref<1x128xi32, #tpu.memory_space<vmem>> -> memref<128xi32, #tpu.memory_space<vmem>>
    %dma_start3A_49 = arith.constant 0 : i32
    %dma_start3A_50 = arith.constant 0 : i32
    %dma_start3A_51 = tpu.memref_slice %arg3[%dma_start3A_49, %dma_start3A_50] : memref<1000000x64xf32, #tpu.memory_space<hbm>> -> memref<1000000x64xf32, #tpu.memory_space<hbm>>
    tpu.enqueue_indirect_dma source(%dma_start3A_51 : memref<1000000x64xf32, #tpu.memory_space<hbm>>) target(%dma_start3A_45 : memref<128x64xf32, #tpu.memory_space<vmem>>) offsets(%dma_start3A_48 : memref<128xi32, #tpu.memory_space<vmem>>) semaphore(%arg14 : memref<!tpu.dma_semaphore, #tpu.memory_space<semaphore_mem>>)
    %dma_start3A_52 = arith.constant 2 : i32
    %dma_start3A_53 = arith.constant 128 : i32
    %dma_start3A_54 = arith.constant 0 : i32
    %dma_start3A_55 = tpu.memref_slice %arg10[%dma_start3A_53, %dma_start3A_54] : memref<200x64xf32, #tpu.memory_space<vmem>> -> memref<72x64xf32, #tpu.memory_space<vmem>>
    %dma_start3A_56 = arith.constant 128 : i32
    %dma_start3A_57 = tpu.memref_slice %arg6[%dma_start3A_52, %dma_start3A_56] : memref<128x200xi32, #tpu.memory_space<vmem>> -> memref<1x72xi32, #tpu.memory_space<vmem>>
    %dma_start3A_58 = tpu.memref_squeeze %dma_start3A_57 : memref<1x72xi32, #tpu.memory_space<vmem>> -> memref<72xi32, #tpu.memory_space<vmem>>
    %dma_start3A_59 = arith.constant 0 : i32
    %dma_start3A_60 = arith.constant 0 : i32
    %dma_start3A_61 = tpu.memref_slice %arg3[%dma_start3A_59, %dma_start3A_60] : memref<1000000x64xf32, #tpu.memory_space<hbm>> -> memref<1000000x64xf32, #tpu.memory_space<hbm>>
    tpu.enqueue_indirect_dma source(%dma_start3A_61 : memref<1000000x64xf32, #tpu.memory_space<hbm>>) target(%dma_start3A_55 : memref<72x64xf32, #tpu.memory_space<vmem>>) offsets(%dma_start3A_58 : memref<72xi32, #tpu.memory_space<vmem>>) semaphore(%arg14 : memref<!tpu.dma_semaphore, #tpu.memory_space<semaphore_mem>>)
    %scan3A = arith.constant 0 : i32
    %scan3A_62 = arith.constant 0 : i32
    %scan3A_63 = arith.constant 32 : i32
    %scan3A_64 = arith.addi %scan3A_62, %scan3A_63 : i32
    %scan3A_65 = arith.constant 1 : i32
    scf.for %scan3A_106 = %scan3A_62 to %scan3A_64 step %scan3A_65  : i32 {
      %mul3A_107 = arith.constant 4 : i32
      %mul3A_108 = arith.muli %scan3A_106, %mul3A_107 : i32
      %add3A_109 = arith.constant 0 : i32
      %add3A_110 = arith.addi %mul3A_108, %add3A_109 : i32
      %dma_wait3A_111 = arith.constant 0 : i32
      %dma_wait3A_112 = arith.constant 0 : i32
      %dma_wait3A_113 = tpu.memref_slice %arg8[%dma_wait3A_111, %dma_wait3A_112] : memref<200x64xf32, #tpu.memory_space<vmem>> -> memref<128x64xf32, #tpu.memory_space<vmem>>
      %dma_wait3A_114 = arith.constant 0 : i32
      %dma_wait3A_115 = tpu.memref_slice %arg6[%add3A_110, %dma_wait3A_114] : memref<128x200xi32, #tpu.memory_space<vmem>> -> memref<1x128xi32, #tpu.memory_space<vmem>>
      %dma_wait3A_116 = tpu.memref_squeeze %dma_wait3A_115 : memref<1x128xi32, #tpu.memory_space<vmem>> -> memref<128xi32, #tpu.memory_space<vmem>>
      %dma_wait3A_117 = arith.constant 0 : i32
      %dma_wait3A_118 = arith.constant 0 : i32
      %dma_wait3A_119 = tpu.memref_slice %arg3[%dma_wait3A_117, %dma_wait3A_118] : memref<1000000x64xf32, #tpu.memory_space<hbm>> -> memref<1000000x64xf32, #tpu.memory_space<hbm>>
      tpu.wait_indirect_dma semaphore(%arg12 : memref<!tpu.dma_semaphore, #tpu.memory_space<semaphore_mem>>) src(%dma_wait3A_119 : memref<1000000x64xf32, #tpu.memory_space<hbm>>) dst(%dma_wait3A_113 : memref<128x64xf32, #tpu.memory_space<vmem>>)
      %dma_wait3A_120 = arith.constant 128 : i32
      %dma_wait3A_121 = arith.constant 0 : i32
      %dma_wait3A_122 = tpu.memref_slice %arg8[%dma_wait3A_120, %dma_wait3A_121] : memref<200x64xf32, #tpu.memory_space<vmem>> -> memref<72x64xf32, #tpu.memory_space<vmem>>
      %dma_wait3A_123 = arith.constant 128 : i32
      %dma_wait3A_124 = tpu.memref_slice %arg6[%add3A_110, %dma_wait3A_123] : memref<128x200xi32, #tpu.memory_space<vmem>> -> memref<1x72xi32, #tpu.memory_space<vmem>>
      %dma_wait3A_125 = tpu.memref_squeeze %dma_wait3A_124 : memref<1x72xi32, #tpu.memory_space<vmem>> -> memref<72xi32, #tpu.memory_space<vmem>>
      %dma_wait3A_126 = arith.constant 0 : i32
      %dma_wait3A_127 = arith.constant 0 : i32
      %dma_wait3A_128 = tpu.memref_slice %arg3[%dma_wait3A_126, %dma_wait3A_127] : memref<1000000x64xf32, #tpu.memory_space<hbm>> -> memref<1000000x64xf32, #tpu.memory_space<hbm>>
      tpu.wait_indirect_dma semaphore(%arg12 : memref<!tpu.dma_semaphore, #tpu.memory_space<semaphore_mem>>) src(%dma_wait3A_128 : memref<1000000x64xf32, #tpu.memory_space<hbm>>) dst(%dma_wait3A_122 : memref<72x64xf32, #tpu.memory_space<vmem>>)
      %scan3A_129 = arith.constant 0 : i32
      %scan3A_130 = arith.constant 0 : i32
      %scan3A_131 = arith.constant 200 : i32
      %scan3A_132 = arith.addi %scan3A_130, %scan3A_131 : i32
      %scan3A_133 = arith.constant 4 : i32
      %scan3A_134 = scf.for %scan3A_284 = %scan3A_130 to %scan3A_132 step %scan3A_133 iter_args(%scan3A_285 = %scan3A_129) -> (i32)  : i32 {
        %get3A = arith.index_cast %scan3A_284 : i32 to index
        %get3A_286 = arith.constant 0 : index
        %get3A_287 = tpu.vector_load %arg8[%get3A, %get3A_286] {strides = array<i32>} : memref<200x64xf32, #tpu.memory_space<vmem>>, vector<1x16xf32>,
        %get3A_288 = vector.shape_cast %get3A_287 : vector<1x16xf32> to vector<16xf32>
        %get3A_289 = arith.index_cast %scan3A_284 : i32 to index
        %get3A_290 = arith.constant 0 : index
        %get3A_291 = tpu.vector_load %arg7[%get3A_289, %get3A_290] {strides = array<i32>} : memref<200x64xf32, #tpu.memory_space<vmem>>, vector<1x16xf32>,
        %get3A_292 = vector.shape_cast %get3A_291 : vector<1x16xf32> to vector<16xf32>
        %add3A_293 = arith.addf %get3A_288, %get3A_292 : vector<16xf32>
        %swap3A = arith.index_cast %scan3A_284 : i32 to index
        %swap3A_294 = arith.constant 0 : index
        %swap3A_295 = tpu.vector_load %arg8[%swap3A, %swap3A_294] {strides = array<i32>} : memref<200x64xf32, #tpu.memory_space<vmem>>, vector<1x16xf32>,
        %swap3A_296 = vector.shape_cast %swap3A_295 : vector<1x16xf32> to vector<16xf32>
        %swap3A_297 = vector.shape_cast %add3A_293 : vector<16xf32> to vector<1x16xf32>
        tpu.vector_store %arg8[%swap3A, %swap3A_294], %swap3A_297 {strides = array<i32>} : memref<200x64xf32, #tpu.memory_space<vmem>>, vector<1x16xf32>,
        %get3A_298 = arith.index_cast %scan3A_284 : i32 to index
        %get3A_299 = arith.constant 16 : index
        %get3A_300 = tpu.vector_load %arg8[%get3A_298, %get3A_299] {strides = array<i32>} : memref<200x64xf32, #tpu.memory_space<vmem>>, vector<1x16xf32>,
        %get3A_301 = vector.shape_cast %get3A_300 : vector<1x16xf32> to vector<16xf32>
        %get3A_302 = arith.index_cast %scan3A_284 : i32 to index
        %get3A_303 = arith.constant 16 : index
        %get3A_304 = tpu.vector_load %arg7[%get3A_302, %get3A_303] {strides = array<i32>} : memref<200x64xf32, #tpu.memory_space<vmem>>, vector<1x16xf32>,
        %get3A_305 = vector.shape_cast %get3A_304 : vector<1x16xf32> to vector<16xf32>
        %add3A_306 = arith.addf %get3A_301, %get3A_305 : vector<16xf32>
        %swap3A_307 = arith.index_cast %scan3A_284 : i32 to index
        %swap3A_308 = arith.constant 16 : index
        %swap3A_309 = tpu.vector_load %arg8[%swap3A_307, %swap3A_308] {strides = array<i32>} : memref<200x64xf32, #tpu.memory_space<vmem>>, vector<1x16xf32>,
        %swap3A_310 = vector.shape_cast %swap3A_309 : vector<1x16xf32> to vector<16xf32>
        %swap3A_311 = vector.shape_cast %add3A_306 : vector<16xf32> to vector<1x16xf32>
        tpu.vector_store %arg8[%swap3A_307, %swap3A_308], %swap3A_311 {strides = array<i32>} : memref<200x64xf32, #tpu.memory_space<vmem>>, vector<1x16xf32>,
        %get3A_312 = arith.index_cast %scan3A_284 : i32 to index
        %get3A_313 = arith.constant 32 : index
        %get3A_314 = tpu.vector_load %arg8[%get3A_312, %get3A_313] {strides = array<i32>} : memref<200x64xf32, #tpu.memory_space<vmem>>, vector<1x16xf32>,
        %get3A_315 = vector.shape_cast %get3A_314 : vector<1x16xf32> to vector<16xf32>
        %get3A_316 = arith.index_cast %scan3A_284 : i32 to index
        %get3A_317 = arith.constant 32 : index
        %get3A_318 = tpu.vector_load %arg7[%get3A_316, %get3A_317] {strides = array<i32>} : memref<200x64xf32, #tpu.memory_space<vmem>>, vector<1x16xf32>,
        %get3A_319 = vector.shape_cast %get3A_318 : vector<1x16xf32> to vector<16xf32>
        %add3A_320 = arith.addf %get3A_315, %get3A_319 : vector<16xf32>
        %swap3A_321 = arith.index_cast %scan3A_284 : i32 to index
        %swap3A_322 = arith.constant 32 : index
        %swap3A_323 = tpu.vector_load %arg8[%swap3A_321, %swap3A_322] {strides = array<i32>} : memref<200x64xf32, #tpu.memory_space<vmem>>, vector<1x16xf32>,
        %swap3A_324 = vector.shape_cast %swap3A_323 : vector<1x16xf32> to vector<16xf32>
        %swap3A_325 = vector.shape_cast %add3A_320 : vector<16xf32> to vector<1x16xf32>
        tpu.vector_store %arg8[%swap3A_321, %swap3A_322], %swap3A_325 {strides = array<i32>} : memref<200x64xf32, #tpu.memory_space<vmem>>, vector<1x16xf32>,
        %get3A_326 = arith.index_cast %scan3A_284 : i32 to index
        %get3A_327 = arith.constant 48 : index
        %get3A_328 = tpu.vector_load %arg8[%get3A_326, %get3A_327] {strides = array<i32>} : memref<200x64xf32, #tpu.memory_space<vmem>>, vector<1x16xf32>,
        %get3A_329 = vector.shape_cast %get3A_328 : vector<1x16xf32> to vector<16xf32>
        %get3A_330 = arith.index_cast %scan3A_284 : i32 to index
        %get3A_331 = arith.constant 48 : index
        %get3A_332 = tpu.vector_load %arg7[%get3A_330, %get3A_331] {strides = array<i32>} : memref<200x64xf32, #tpu.memory_space<vmem>>, vector<1x16xf32>,
        %get3A_333 = vector.shape_cast %get3A_332 : vector<1x16xf32> to vector<16xf32>
        %add3A_334 = arith.addf %get3A_329, %get3A_333 : vector<16xf32>
        %swap3A_335 = arith.index_cast %scan3A_284 : i32 to index
        %swap3A_336 = arith.constant 48 : index
        %swap3A_337 = tpu.vector_load %arg8[%swap3A_335, %swap3A_336] {strides = array<i32>} : memref<200x64xf32, #tpu.memory_space<vmem>>, vector<1x16xf32>,
        %swap3A_338 = vector.shape_cast %swap3A_337 : vector<1x16xf32> to vector<16xf32>
        %swap3A_339 = vector.shape_cast %add3A_334 : vector<16xf32> to vector<1x16xf32>
        tpu.vector_store %arg8[%swap3A_335, %swap3A_336], %swap3A_339 {strides = array<i32>} : memref<200x64xf32, #tpu.memory_space<vmem>>, vector<1x16xf32>,
        %scan3A_340 = arith.constant 0 : i32
        %scan3A_341 = arith.constant 1 : i32
        %scan3A_342 = arith.addi %scan3A_284, %scan3A_341 : i32
        %get3A_343 = arith.index_cast %scan3A_342 : i32 to index
        %get3A_344 = arith.constant 0 : index
        %get3A_345 = tpu.vector_load %arg8[%get3A_343, %get3A_344] {strides = array<i32>} : memref<200x64xf32, #tpu.memory_space<vmem>>, vector<1x16xf32>,
        %get3A_346 = vector.shape_cast %get3A_345 : vector<1x16xf32> to vector<16xf32>
        %get3A_347 = arith.index_cast %scan3A_342 : i32 to index
        %get3A_348 = arith.constant 0 : index
        %get3A_349 = tpu.vector_load %arg7[%get3A_347, %get3A_348] {strides = array<i32>} : memref<200x64xf32, #tpu.memory_space<vmem>>, vector<1x16xf32>,
        %get3A_350 = vector.shape_cast %get3A_349 : vector<1x16xf32> to vector<16xf32>
        %add3A_351 = arith.addf %get3A_346, %get3A_350 : vector<16xf32>
        %swap3A_352 = arith.index_cast %scan3A_342 : i32 to index
        %swap3A_353 = arith.constant 0 : index
        %swap3A_354 = tpu.vector_load %arg8[%swap3A_352, %swap3A_353] {strides = array<i32>} : memref<200x64xf32, #tpu.memory_space<vmem>>, vector<1x16xf32>,
        %swap3A_355 = vector.shape_cast %swap3A_354 : vector<1x16xf32> to vector<16xf32>
        %swap3A_356 = vector.shape_cast %add3A_351 : vector<16xf32> to vector<1x16xf32>
        tpu.vector_store %arg8[%swap3A_352, %swap3A_353], %swap3A_356 {strides = array<i32>} : memref<200x64xf32, #tpu.memory_space<vmem>>, vector<1x16xf32>,
        %get3A_357 = arith.index_cast %scan3A_342 : i32 to index
        %get3A_358 = arith.constant 16 : index
        %get3A_359 = tpu.vector_load %arg8[%get3A_357, %get3A_358] {strides = array<i32>} : memref<200x64xf32, #tpu.memory_space<vmem>>, vector<1x16xf32>,
        %get3A_360 = vector.shape_cast %get3A_359 : vector<1x16xf32> to vector<16xf32>
        %get3A_361 = arith.index_cast %scan3A_342 : i32 to index
        %get3A_362 = arith.constant 16 : index
        %get3A_363 = tpu.vector_load %arg7[%get3A_361, %get3A_362] {strides = array<i32>} : memref<200x64xf32, #tpu.memory_space<vmem>>, vector<1x16xf32>,
        %get3A_364 = vector.shape_cast %get3A_363 : vector<1x16xf32> to vector<16xf32>
        %add3A_365 = arith.addf %get3A_360, %get3A_364 : vector<16xf32>
        %swap3A_366 = arith.index_cast %scan3A_342 : i32 to index
        %swap3A_367 = arith.constant 16 : index
        %swap3A_368 = tpu.vector_load %arg8[%swap3A_366, %swap3A_367] {strides = array<i32>} : memref<200x64xf32, #tpu.memory_space<vmem>>, vector<1x16xf32>,
        %swap3A_369 = vector.shape_cast %swap3A_368 : vector<1x16xf32> to vector<16xf32>
        %swap3A_370 = vector.shape_cast %add3A_365 : vector<16xf32> to vector<1x16xf32>
        tpu.vector_store %arg8[%swap3A_366, %swap3A_367], %swap3A_370 {strides = array<i32>} : memref<200x64xf32, #tpu.memory_space<vmem>>, vector<1x16xf32>,
        %get3A_371 = arith.index_cast %scan3A_342 : i32 to index
        %get3A_372 = arith.constant 32 : index
        %get3A_373 = tpu.vector_load %arg8[%get3A_371, %get3A_372] {strides = array<i32>} : memref<200x64xf32, #tpu.memory_space<vmem>>, vector<1x16xf32>,
        %get3A_374 = vector.shape_cast %get3A_373 : vector<1x16xf32> to vector<16xf32>
        %get3A_375 = arith.index_cast %scan3A_342 : i32 to index
        %get3A_376 = arith.constant 32 : index
        %get3A_377 = tpu.vector_load %arg7[%get3A_375, %get3A_376] {strides = array<i32>} : memref<200x64xf32, #tpu.memory_space<vmem>>, vector<1x16xf32>,
        %get3A_378 = vector.shape_cast %get3A_377 : vector<1x16xf32> to vector<16xf32>
        %add3A_379 = arith.addf %get3A_374, %get3A_378 : vector<16xf32>
        %swap3A_380 = arith.index_cast %scan3A_342 : i32 to index
        %swap3A_381 = arith.constant 32 : index
        %swap3A_382 = tpu.vector_load %arg8[%swap3A_380, %swap3A_381] {strides = array<i32>} : memref<200x64xf32, #tpu.memory_space<vmem>>, vector<1x16xf32>,
        %swap3A_383 = vector.shape_cast %swap3A_382 : vector<1x16xf32> to vector<16xf32>
        %swap3A_384 = vector.shape_cast %add3A_379 : vector<16xf32> to vector<1x16xf32>
        tpu.vector_store %arg8[%swap3A_380, %swap3A_381], %swap3A_384 {strides = array<i32>} : memref<200x64xf32, #tpu.memory_space<vmem>>, vector<1x16xf32>,
        %get3A_385 = arith.index_cast %scan3A_342 : i32 to index
        %get3A_386 = arith.constant 48 : index
        %get3A_387 = tpu.vector_load %arg8[%get3A_385, %get3A_386] {strides = array<i32>} : memref<200x64xf32, #tpu.memory_space<vmem>>, vector<1x16xf32>,
        %get3A_388 = vector.shape_cast %get3A_387 : vector<1x16xf32> to vector<16xf32>
        %get3A_389 = arith.index_cast %scan3A_342 : i32 to index
        %get3A_390 = arith.constant 48 : index
        %get3A_391 = tpu.vector_load %arg7[%get3A_389, %get3A_390] {strides = array<i32>} : memref<200x64xf32, #tpu.memory_space<vmem>>, vector<1x16xf32>,
        %get3A_392 = vector.shape_cast %get3A_391 : vector<1x16xf32> to vector<16xf32>
        %add3A_393 = arith.addf %get3A_388, %get3A_392 : vector<16xf32>
        %swap3A_394 = arith.index_cast %scan3A_342 : i32 to index
        %swap3A_395 = arith.constant 48 : index
        %swap3A_396 = tpu.vector_load %arg8[%swap3A_394, %swap3A_395] {strides = array<i32>} : memref<200x64xf32, #tpu.memory_space<vmem>>, vector<1x16xf32>,
        %swap3A_397 = vector.shape_cast %swap3A_396 : vector<1x16xf32> to vector<16xf32>
        %swap3A_398 = vector.shape_cast %add3A_393 : vector<16xf32> to vector<1x16xf32>
        tpu.vector_store %arg8[%swap3A_394, %swap3A_395], %swap3A_398 {strides = array<i32>} : memref<200x64xf32, #tpu.memory_space<vmem>>, vector<1x16xf32>,
        %scan3A_399 = arith.constant 0 : i32
        %scan3A_400 = arith.constant 2 : i32
        %scan3A_401 = arith.addi %scan3A_284, %scan3A_400 : i32
        %get3A_402 = arith.index_cast %scan3A_401 : i32 to index
        %get3A_403 = arith.constant 0 : index
        %get3A_404 = tpu.vector_load %arg8[%get3A_402, %get3A_403] {strides = array<i32>} : memref<200x64xf32, #tpu.memory_space<vmem>>, vector<1x16xf32>,
        %get3A_405 = vector.shape_cast %get3A_404 : vector<1x16xf32> to vector<16xf32>
        %get3A_406 = arith.index_cast %scan3A_401 : i32 to index
        %get3A_407 = arith.constant 0 : index
        %get3A_408 = tpu.vector_load %arg7[%get3A_406, %get3A_407] {strides = array<i32>} : memref<200x64xf32, #tpu.memory_space<vmem>>, vector<1x16xf32>,
        %get3A_409 = vector.shape_cast %get3A_408 : vector<1x16xf32> to vector<16xf32>
        %add3A_410 = arith.addf %get3A_405, %get3A_409 : vector<16xf32>
        %swap3A_411 = arith.index_cast %scan3A_401 : i32 to index
        %swap3A_412 = arith.constant 0 : index
        %swap3A_413 = tpu.vector_load %arg8[%swap3A_411, %swap3A_412] {strides = array<i32>} : memref<200x64xf32, #tpu.memory_space<vmem>>, vector<1x16xf32>,
        %swap3A_414 = vector.shape_cast %swap3A_413 : vector<1x16xf32> to vector<16xf32>
        %swap3A_415 = vector.shape_cast %add3A_410 : vector<16xf32> to vector<1x16xf32>
        tpu.vector_store %arg8[%swap3A_411, %swap3A_412], %swap3A_415 {strides = array<i32>} : memref<200x64xf32, #tpu.memory_space<vmem>>, vector<1x16xf32>,
        %get3A_416 = arith.index_cast %scan3A_401 : i32 to index
        %get3A_417 = arith.constant 16 : index
        %get3A_418 = tpu.vector_load %arg8[%get3A_416, %get3A_417] {strides = array<i32>} : memref<200x64xf32, #tpu.memory_space<vmem>>, vector<1x16xf32>,
        %get3A_419 = vector.shape_cast %get3A_418 : vector<1x16xf32> to vector<16xf32>
        %get3A_420 = arith.index_cast %scan3A_401 : i32 to index
        %get3A_421 = arith.constant 16 : index
        %get3A_422 = tpu.vector_load %arg7[%get3A_420, %get3A_421] {strides = array<i32>} : memref<200x64xf32, #tpu.memory_space<vmem>>, vector<1x16xf32>,
        %get3A_423 = vector.shape_cast %get3A_422 : vector<1x16xf32> to vector<16xf32>
        %add3A_424 = arith.addf %get3A_419, %get3A_423 : vector<16xf32>
        %swap3A_425 = arith.index_cast %scan3A_401 : i32 to index
        %swap3A_426 = arith.constant 16 : index
        %swap3A_427 = tpu.vector_load %arg8[%swap3A_425, %swap3A_426] {strides = array<i32>} : memref<200x64xf32, #tpu.memory_space<vmem>>, vector<1x16xf32>,
        %swap3A_428 = vector.shape_cast %swap3A_427 : vector<1x16xf32> to vector<16xf32>
        %swap3A_429 = vector.shape_cast %add3A_424 : vector<16xf32> to vector<1x16xf32>
        tpu.vector_store %arg8[%swap3A_425, %swap3A_426], %swap3A_429 {strides = array<i32>} : memref<200x64xf32, #tpu.memory_space<vmem>>, vector<1x16xf32>,
        %get3A_430 = arith.index_cast %scan3A_401 : i32 to index
        %get3A_431 = arith.constant 32 : index
        %get3A_432 = tpu.vector_load %arg8[%get3A_430, %get3A_431] {strides = array<i32>} : memref<200x64xf32, #tpu.memory_space<vmem>>, vector<1x16xf32>,
        %get3A_433 = vector.shape_cast %get3A_432 : vector<1x16xf32> to vector<16xf32>
        %get3A_434 = arith.index_cast %scan3A_401 : i32 to index
        %get3A_435 = arith.constant 32 : index
        %get3A_436 = tpu.vector_load %arg7[%get3A_434, %get3A_435] {strides = array<i32>} : memref<200x64xf32, #tpu.memory_space<vmem>>, vector<1x16xf32>,
        %get3A_437 = vector.shape_cast %get3A_436 : vector<1x16xf32> to vector<16xf32>
        %add3A_438 = arith.addf %get3A_433, %get3A_437 : vector<16xf32>
        %swap3A_439 = arith.index_cast %scan3A_401 : i32 to index
        %swap3A_440 = arith.constant 32 : index
        %swap3A_441 = tpu.vector_load %arg8[%swap3A_439, %swap3A_440] {strides = array<i32>} : memref<200x64xf32, #tpu.memory_space<vmem>>, vector<1x16xf32>,
        %swap3A_442 = vector.shape_cast %swap3A_441 : vector<1x16xf32> to vector<16xf32>
        %swap3A_443 = vector.shape_cast %add3A_438 : vector<16xf32> to vector<1x16xf32>
        tpu.vector_store %arg8[%swap3A_439, %swap3A_440], %swap3A_443 {strides = array<i32>} : memref<200x64xf32, #tpu.memory_space<vmem>>, vector<1x16xf32>,
        %get3A_444 = arith.index_cast %scan3A_401 : i32 to index
        %get3A_445 = arith.constant 48 : index
        %get3A_446 = tpu.vector_load %arg8[%get3A_444, %get3A_445] {strides = array<i32>} : memref<200x64xf32, #tpu.memory_space<vmem>>, vector<1x16xf32>,
        %get3A_447 = vector.shape_cast %get3A_446 : vector<1x16xf32> to vector<16xf32>
        %get3A_448 = arith.index_cast %scan3A_401 : i32 to index
        %get3A_449 = arith.constant 48 : index
        %get3A_450 = tpu.vector_load %arg7[%get3A_448, %get3A_449] {strides = array<i32>} : memref<200x64xf32, #tpu.memory_space<vmem>>, vector<1x16xf32>,
        %get3A_451 = vector.shape_cast %get3A_450 : vector<1x16xf32> to vector<16xf32>
        %add3A_452 = arith.addf %get3A_447, %get3A_451 : vector<16xf32>
        %swap3A_453 = arith.index_cast %scan3A_401 : i32 to index
        %swap3A_454 = arith.constant 48 : index
        %swap3A_455 = tpu.vector_load %arg8[%swap3A_453, %swap3A_454] {strides = array<i32>} : memref<200x64xf32, #tpu.memory_space<vmem>>, vector<1x16xf32>,
        %swap3A_456 = vector.shape_cast %swap3A_455 : vector<1x16xf32> to vector<16xf32>
        %swap3A_457 = vector.shape_cast %add3A_452 : vector<16xf32> to vector<1x16xf32>
        tpu.vector_store %arg8[%swap3A_453, %swap3A_454], %swap3A_457 {strides = array<i32>} : memref<200x64xf32, #tpu.memory_space<vmem>>, vector<1x16xf32>,
        %scan3A_458 = arith.constant 0 : i32
        %scan3A_459 = arith.constant 3 : i32
        %scan3A_460 = arith.addi %scan3A_284, %scan3A_459 : i32
        %get3A_461 = arith.index_cast %scan3A_460 : i32 to index
        %get3A_462 = arith.constant 0 : index
        %get3A_463 = tpu.vector_load %arg8[%get3A_461, %get3A_462] {strides = array<i32>} : memref<200x64xf32, #tpu.memory_space<vmem>>, vector<1x16xf32>,
        %get3A_464 = vector.shape_cast %get3A_463 : vector<1x16xf32> to vector<16xf32>
        %get3A_465 = arith.index_cast %scan3A_460 : i32 to index
        %get3A_466 = arith.constant 0 : index
        %get3A_467 = tpu.vector_load %arg7[%get3A_465, %get3A_466] {strides = array<i32>} : memref<200x64xf32, #tpu.memory_space<vmem>>, vector<1x16xf32>,
        %get3A_468 = vector.shape_cast %get3A_467 : vector<1x16xf32> to vector<16xf32>
        %add3A_469 = arith.addf %get3A_464, %get3A_468 : vector<16xf32>
        %swap3A_470 = arith.index_cast %scan3A_460 : i32 to index
        %swap3A_471 = arith.constant 0 : index
        %swap3A_472 = tpu.vector_load %arg8[%swap3A_470, %swap3A_471] {strides = array<i32>} : memref<200x64xf32, #tpu.memory_space<vmem>>, vector<1x16xf32>,
        %swap3A_473 = vector.shape_cast %swap3A_472 : vector<1x16xf32> to vector<16xf32>
        %swap3A_474 = vector.shape_cast %add3A_469 : vector<16xf32> to vector<1x16xf32>
        tpu.vector_store %arg8[%swap3A_470, %swap3A_471], %swap3A_474 {strides = array<i32>} : memref<200x64xf32, #tpu.memory_space<vmem>>, vector<1x16xf32>,
        %get3A_475 = arith.index_cast %scan3A_460 : i32 to index
        %get3A_476 = arith.constant 16 : index
        %get3A_477 = tpu.vector_load %arg8[%get3A_475, %get3A_476] {strides = array<i32>} : memref<200x64xf32, #tpu.memory_space<vmem>>, vector<1x16xf32>,
        %get3A_478 = vector.shape_cast %get3A_477 : vector<1x16xf32> to vector<16xf32>
        %get3A_479 = arith.index_cast %scan3A_460 : i32 to index
        %get3A_480 = arith.constant 16 : index
        %get3A_481 = tpu.vector_load %arg7[%get3A_479, %get3A_480] {strides = array<i32>} : memref<200x64xf32, #tpu.memory_space<vmem>>, vector<1x16xf32>,
        %get3A_482 = vector.shape_cast %get3A_481 : vector<1x16xf32> to vector<16xf32>
        %add3A_483 = arith.addf %get3A_478, %get3A_482 : vector<16xf32>
        %swap3A_484 = arith.index_cast %scan3A_460 : i32 to index
        %swap3A_485 = arith.constant 16 : index
        %swap3A_486 = tpu.vector_load %arg8[%swap3A_484, %swap3A_485] {strides = array<i32>} : memref<200x64xf32, #tpu.memory_space<vmem>>, vector<1x16xf32>,
        %swap3A_487 = vector.shape_cast %swap3A_486 : vector<1x16xf32> to vector<16xf32>
        %swap3A_488 = vector.shape_cast %add3A_483 : vector<16xf32> to vector<1x16xf32>
        tpu.vector_store %arg8[%swap3A_484, %swap3A_485], %swap3A_488 {strides = array<i32>} : memref<200x64xf32, #tpu.memory_space<vmem>>, vector<1x16xf32>,
        %get3A_489 = arith.index_cast %scan3A_460 : i32 to index
        %get3A_490 = arith.constant 32 : index
        %get3A_491 = tpu.vector_load %arg8[%get3A_489, %get3A_490] {strides = array<i32>} : memref<200x64xf32, #tpu.memory_space<vmem>>, vector<1x16xf32>,
        %get3A_492 = vector.shape_cast %get3A_491 : vector<1x16xf32> to vector<16xf32>
        %get3A_493 = arith.index_cast %scan3A_460 : i32 to index
        %get3A_494 = arith.constant 32 : index
        %get3A_495 = tpu.vector_load %arg7[%get3A_493, %get3A_494] {strides = array<i32>} : memref<200x64xf32, #tpu.memory_space<vmem>>, vector<1x16xf32>,
        %get3A_496 = vector.shape_cast %get3A_495 : vector<1x16xf32> to vector<16xf32>
        %add3A_497 = arith.addf %get3A_492, %get3A_496 : vector<16xf32>
        %swap3A_498 = arith.index_cast %scan3A_460 : i32 to index
        %swap3A_499 = arith.constant 32 : index
        %swap3A_500 = tpu.vector_load %arg8[%swap3A_498, %swap3A_499] {strides = array<i32>} : memref<200x64xf32, #tpu.memory_space<vmem>>, vector<1x16xf32>,
        %swap3A_501 = vector.shape_cast %swap3A_500 : vector<1x16xf32> to vector<16xf32>
        %swap3A_502 = vector.shape_cast %add3A_497 : vector<16xf32> to vector<1x16xf32>
        tpu.vector_store %arg8[%swap3A_498, %swap3A_499], %swap3A_502 {strides = array<i32>} : memref<200x64xf32, #tpu.memory_space<vmem>>, vector<1x16xf32>,
        %get3A_503 = arith.index_cast %scan3A_460 : i32 to index
        %get3A_504 = arith.constant 48 : index
        %get3A_505 = tpu.vector_load %arg8[%get3A_503, %get3A_504] {strides = array<i32>} : memref<200x64xf32, #tpu.memory_space<vmem>>, vector<1x16xf32>,
        %get3A_506 = vector.shape_cast %get3A_505 : vector<1x16xf32> to vector<16xf32>
        %get3A_507 = arith.index_cast %scan3A_460 : i32 to index
        %get3A_508 = arith.constant 48 : index
        %get3A_509 = tpu.vector_load %arg7[%get3A_507, %get3A_508] {strides = array<i32>} : memref<200x64xf32, #tpu.memory_space<vmem>>, vector<1x16xf32>,
        %get3A_510 = vector.shape_cast %get3A_509 : vector<1x16xf32> to vector<16xf32>
        %add3A_511 = arith.addf %get3A_506, %get3A_510 : vector<16xf32>
        %swap3A_512 = arith.index_cast %scan3A_460 : i32 to index
        %swap3A_513 = arith.constant 48 : index
        %swap3A_514 = tpu.vector_load %arg8[%swap3A_512, %swap3A_513] {strides = array<i32>} : memref<200x64xf32, #tpu.memory_space<vmem>>, vector<1x16xf32>,
        %swap3A_515 = vector.shape_cast %swap3A_514 : vector<1x16xf32> to vector<16xf32>
        %swap3A_516 = vector.shape_cast %add3A_511 : vector<16xf32> to vector<1x16xf32>
        tpu.vector_store %arg8[%swap3A_512, %swap3A_513], %swap3A_516 {strides = array<i32>} : memref<200x64xf32, #tpu.memory_space<vmem>>, vector<1x16xf32>,
        %scan3A_517 = arith.constant 0 : i32
        scf.yield %scan3A_517 : i32
      }
      %scan3A_135 = arith.constant 200 : i32
      %add3A_136 = arith.addi %mul3A_2, %add3A_110 : i32
      %dma_start3A_137 = arith.constant 0 : i32
      %dma_start3A_138 = arith.constant 0 : i32
      %dma_start3A_139 = tpu.memref_slice %arg5[%add3A_136, %dma_start3A_137, %dma_start3A_138] : memref<4096x200x64xf32, #tpu.memory_space<hbm>> -> memref<1x200x64xf32, #tpu.memory_space<hbm>>
      %dma_start3A_140 = tpu.memref_squeeze %dma_start3A_139 : memref<1x200x64xf32, #tpu.memory_space<hbm>> -> memref<200x64xf32, #tpu.memory_space<hbm>>
      %dma_start3A_141 = arith.constant 0 : i32
      %dma_start3A_142 = arith.constant 0 : i32
      %dma_start3A_143 = tpu.memref_slice %arg5[%add3A_136, %dma_start3A_141, %dma_start3A_142] : memref<4096x200x64xf32, #tpu.memory_space<hbm>> -> memref<1x200x64xf32, #tpu.memory_space<hbm>>
      %dma_start3A_144 = tpu.memref_squeeze %dma_start3A_143 : memref<1x200x64xf32, #tpu.memory_space<hbm>> -> memref<200x64xf32, #tpu.memory_space<hbm>>
      tpu.enqueue_dma source(%arg8 : memref<200x64xf32, #tpu.memory_space<vmem>>) target(%dma_start3A_144 : memref<200x64xf32, #tpu.memory_space<hbm>>) target_semaphore(%arg16 : memref<!tpu.dma_semaphore, #tpu.memory_space<semaphore_mem>>)
      %add3A_145 = arith.constant 3 : i32
      %add3A_146 = arith.addi %add3A_110, %add3A_145 : i32
      %lt3A = arith.constant 128 : i32
      %lt3A_147 = arith.cmpi slt, %add3A_146, %lt3A : i32
      %convert_element_type3A = arith.extui %lt3A_147 : i1 to i32
      %cond3A = arith.constant 0 : i32
      %cond3A_148 = arith.cmpi ne, %convert_element_type3A, %cond3A : i32
      scf.if %cond3A_148 {
        %ge3A = arith.constant 4 : i32
        %ge3A_284 = arith.cmpi sge, %add3A_146, %ge3A : i32
        %convert_element_type3A_285 = arith.extui %ge3A_284 : i1 to i32
        %cond3A_286 = arith.constant 0 : i32
        %cond3A_287 = arith.cmpi ne, %convert_element_type3A_285, %cond3A_286 : i32
        scf.if %cond3A_287 {
          %sub3A = arith.constant 4 : i32
          %sub3A_306 = arith.subi %add3A_146, %sub3A : i32
          %add3A_307 = arith.addi %mul3A_2, %sub3A_306 : i32
          %dma_wait3A_308 = arith.constant 0 : i32
          %dma_wait3A_309 = arith.constant 0 : i32
          %dma_wait3A_310 = tpu.memref_slice %arg5[%add3A_307, %dma_wait3A_308, %dma_wait3A_309] : memref<4096x200x64xf32, #tpu.memory_space<hbm>> -> memref<1x200x64xf32, #tpu.memory_space<hbm>>
          %dma_wait3A_311 = tpu.memref_squeeze %dma_wait3A_310 : memref<1x200x64xf32, #tpu.memory_space<hbm>> -> memref<200x64xf32, #tpu.memory_space<hbm>>
          %dma_wait3A_312 = arith.constant 0 : i32
          %dma_wait3A_313 = arith.constant 0 : i32
          %dma_wait3A_314 = tpu.memref_slice %arg5[%add3A_307, %dma_wait3A_312, %dma_wait3A_313] : memref<4096x200x64xf32, #tpu.memory_space<hbm>> -> memref<1x200x64xf32, #tpu.memory_space<hbm>>
          %dma_wait3A_315 = tpu.memref_squeeze %dma_wait3A_314 : memref<1x200x64xf32, #tpu.memory_space<hbm>> -> memref<200x64xf32, #tpu.memory_space<hbm>>
          tpu.wait_dma2 semaphore(%arg19 : memref<!tpu.dma_semaphore, #tpu.memory_space<semaphore_mem>>) src(%arg11 : memref<200x64xf32, #tpu.memory_space<vmem>>) dst(%dma_wait3A_315 : memref<200x64xf32, #tpu.memory_space<hbm>>)
        } else {
        }
        %dma_start3A_288 = arith.constant 0 : i32
        %dma_start3A_289 = arith.constant 0 : i32
        %dma_start3A_290 = tpu.memref_slice %arg11[%dma_start3A_288, %dma_start3A_289] : memref<200x64xf32, #tpu.memory_space<vmem>> -> memref<128x64xf32, #tpu.memory_space<vmem>>
        %dma_start3A_291 = arith.constant 0 : i32
        %dma_start3A_292 = tpu.memref_slice %arg6[%add3A_146, %dma_start3A_291] : memref<128x200xi32, #tpu.memory_space<vmem>> -> memref<1x128xi32, #tpu.memory_space<vmem>>
        %dma_start3A_293 = tpu.memref_squeeze %dma_start3A_292 : memref<1x128xi32, #tpu.memory_space<vmem>> -> memref<128xi32, #tpu.memory_space<vmem>>
        %dma_start3A_294 = arith.constant 0 : i32
        %dma_start3A_295 = arith.constant 0 : i32
        %dma_start3A_296 = tpu.memref_slice %arg3[%dma_start3A_294, %dma_start3A_295] : memref<1000000x64xf32, #tpu.memory_space<hbm>> -> memref<1000000x64xf32, #tpu.memory_space<hbm>>
        tpu.enqueue_indirect_dma source(%dma_start3A_296 : memref<1000000x64xf32, #tpu.memory_space<hbm>>) target(%dma_start3A_290 : memref<128x64xf32, #tpu.memory_space<vmem>>) offsets(%dma_start3A_293 : memref<128xi32, #tpu.memory_space<vmem>>) semaphore(%arg15 : memref<!tpu.dma_semaphore, #tpu.memory_space<semaphore_mem>>)
        %dma_start3A_297 = arith.constant 128 : i32
        %dma_start3A_298 = arith.constant 0 : i32
        %dma_start3A_299 = tpu.memref_slice %arg11[%dma_start3A_297, %dma_start3A_298] : memref<200x64xf32, #tpu.memory_space<vmem>> -> memref<72x64xf32, #tpu.memory_space<vmem>>
        %dma_start3A_300 = arith.constant 128 : i32
        %dma_start3A_301 = tpu.memref_slice %arg6[%add3A_146, %dma_start3A_300] : memref<128x200xi32, #tpu.memory_space<vmem>> -> memref<1x72xi32, #tpu.memory_space<vmem>>
        %dma_start3A_302 = tpu.memref_squeeze %dma_start3A_301 : memref<1x72xi32, #tpu.memory_space<vmem>> -> memref<72xi32, #tpu.memory_space<vmem>>
        %dma_start3A_303 = arith.constant 0 : i32
        %dma_start3A_304 = arith.constant 0 : i32
        %dma_start3A_305 = tpu.memref_slice %arg3[%dma_start3A_303, %dma_start3A_304] : memref<1000000x64xf32, #tpu.memory_space<hbm>> -> memref<1000000x64xf32, #tpu.memory_space<hbm>>
        tpu.enqueue_indirect_dma source(%dma_start3A_305 : memref<1000000x64xf32, #tpu.memory_space<hbm>>) target(%dma_start3A_299 : memref<72x64xf32, #tpu.memory_space<vmem>>) offsets(%dma_start3A_302 : memref<72xi32, #tpu.memory_space<vmem>>) semaphore(%arg15 : memref<!tpu.dma_semaphore, #tpu.memory_space<semaphore_mem>>)
      } else {
      }
      %mul3A_149 = arith.constant 4 : i32
      %mul3A_150 = arith.muli %scan3A_106, %mul3A_149 : i32
      %add3A_151 = arith.constant 1 : i32
      %add3A_152 = arith.addi %mul3A_150, %add3A_151 : i32
      %dma_wait3A_153 = arith.constant 0 : i32
      %dma_wait3A_154 = arith.constant 0 : i32
      %dma_wait3A_155 = tpu.memref_slice %arg9[%dma_wait3A_153, %dma_wait3A_154] : memref<200x64xf32, #tpu.memory_space<vmem>> -> memref<128x64xf32, #tpu.memory_space<vmem>>
      %dma_wait3A_156 = arith.constant 0 : i32
      %dma_wait3A_157 = tpu.memref_slice %arg6[%add3A_152, %dma_wait3A_156] : memref<128x200xi32, #tpu.memory_space<vmem>> -> memref<1x128xi32, #tpu.memory_space<vmem>>
      %dma_wait3A_158 = tpu.memref_squeeze %dma_wait3A_157 : memref<1x128xi32, #tpu.memory_space<vmem>> -> memref<128xi32, #tpu.memory_space<vmem>>
      %dma_wait3A_159 = arith.constant 0 : i32
      %dma_wait3A_160 = arith.constant 0 : i32
      %dma_wait3A_161 = tpu.memref_slice %arg3[%dma_wait3A_159, %dma_wait3A_160] : memref<1000000x64xf32, #tpu.memory_space<hbm>> -> memref<1000000x64xf32, #tpu.memory_space<hbm>>
      tpu.wait_indirect_dma semaphore(%arg13 : memref<!tpu.dma_semaphore, #tpu.memory_space<semaphore_mem>>) src(%dma_wait3A_161 : memref<1000000x64xf32, #tpu.memory_space<hbm>>) dst(%dma_wait3A_155 : memref<128x64xf32, #tpu.memory_space<vmem>>)
      %dma_wait3A_162 = arith.constant 128 : i32
      %dma_wait3A_163 = arith.constant 0 : i32
      %dma_wait3A_164 = tpu.memref_slice %arg9[%dma_wait3A_162, %dma_wait3A_163] : memref<200x64xf32, #tpu.memory_space<vmem>> -> memref<72x64xf32, #tpu.memory_space<vmem>>
      %dma_wait3A_165 = arith.constant 128 : i32
      %dma_wait3A_166 = tpu.memref_slice %arg6[%add3A_152, %dma_wait3A_165] : memref<128x200xi32, #tpu.memory_space<vmem>> -> memref<1x72xi32, #tpu.memory_space<vmem>>
      %dma_wait3A_167 = tpu.memref_squeeze %dma_wait3A_166 : memref<1x72xi32, #tpu.memory_space<vmem>> -> memref<72xi32, #tpu.memory_space<vmem>>
      %dma_wait3A_168 = arith.constant 0 : i32
      %dma_wait3A_169 = arith.constant 0 : i32
      %dma_wait3A_170 = tpu.memref_slice %arg3[%dma_wait3A_168, %dma_wait3A_169] : memref<1000000x64xf32, #tpu.memory_space<hbm>> -> memref<1000000x64xf32, #tpu.memory_space<hbm>>
      tpu.wait_indirect_dma semaphore(%arg13 : memref<!tpu.dma_semaphore, #tpu.memory_space<semaphore_mem>>) src(%dma_wait3A_170 : memref<1000000x64xf32, #tpu.memory_space<hbm>>) dst(%dma_wait3A_164 : memref<72x64xf32, #tpu.memory_space<vmem>>)
      %scan3A_171 = arith.constant 0 : i32
      %scan3A_172 = arith.constant 0 : i32
      %scan3A_173 = arith.constant 200 : i32
      %scan3A_174 = arith.addi %scan3A_172, %scan3A_173 : i32
      %scan3A_175 = arith.constant 4 : i32
      %scan3A_176 = scf.for %scan3A_284 = %scan3A_172 to %scan3A_174 step %scan3A_175 iter_args(%scan3A_285 = %scan3A_171) -> (i32)  : i32 {
        %get3A = arith.index_cast %scan3A_284 : i32 to index
        %get3A_286 = arith.constant 0 : index
        %get3A_287 = tpu.vector_load %arg9[%get3A, %get3A_286] {strides = array<i32>} : memref<200x64xf32, #tpu.memory_space<vmem>>, vector<1x16xf32>,
        %get3A_288 = vector.shape_cast %get3A_287 : vector<1x16xf32> to vector<16xf32>
        %get3A_289 = arith.index_cast %scan3A_284 : i32 to index
        %get3A_290 = arith.constant 0 : index
        %get3A_291 = tpu.vector_load %arg7[%get3A_289, %get3A_290] {strides = array<i32>} : memref<200x64xf32, #tpu.memory_space<vmem>>, vector<1x16xf32>,
        %get3A_292 = vector.shape_cast %get3A_291 : vector<1x16xf32> to vector<16xf32>
        %add3A_293 = arith.addf %get3A_288, %get3A_292 : vector<16xf32>
        %swap3A = arith.index_cast %scan3A_284 : i32 to index
        %swap3A_294 = arith.constant 0 : index
        %swap3A_295 = tpu.vector_load %arg9[%swap3A, %swap3A_294] {strides = array<i32>} : memref<200x64xf32, #tpu.memory_space<vmem>>, vector<1x16xf32>,
        %swap3A_296 = vector.shape_cast %swap3A_295 : vector<1x16xf32> to vector<16xf32>
        %swap3A_297 = vector.shape_cast %add3A_293 : vector<16xf32> to vector<1x16xf32>
        tpu.vector_store %arg9[%swap3A, %swap3A_294], %swap3A_297 {strides = array<i32>} : memref<200x64xf32, #tpu.memory_space<vmem>>, vector<1x16xf32>,
        %get3A_298 = arith.index_cast %scan3A_284 : i32 to index
        %get3A_299 = arith.constant 16 : index
        %get3A_300 = tpu.vector_load %arg9[%get3A_298, %get3A_299] {strides = array<i32>} : memref<200x64xf32, #tpu.memory_space<vmem>>, vector<1x16xf32>,
        %get3A_301 = vector.shape_cast %get3A_300 : vector<1x16xf32> to vector<16xf32>
        %get3A_302 = arith.index_cast %scan3A_284 : i32 to index
        %get3A_303 = arith.constant 16 : index
        %get3A_304 = tpu.vector_load %arg7[%get3A_302, %get3A_303] {strides = array<i32>} : memref<200x64xf32, #tpu.memory_space<vmem>>, vector<1x16xf32>,
        %get3A_305 = vector.shape_cast %get3A_304 : vector<1x16xf32> to vector<16xf32>
        %add3A_306 = arith.addf %get3A_301, %get3A_305 : vector<16xf32>
        %swap3A_307 = arith.index_cast %scan3A_284 : i32 to index
        %swap3A_308 = arith.constant 16 : index
        %swap3A_309 = tpu.vector_load %arg9[%swap3A_307, %swap3A_308] {strides = array<i32>} : memref<200x64xf32, #tpu.memory_space<vmem>>, vector<1x16xf32>,
        %swap3A_310 = vector.shape_cast %swap3A_309 : vector<1x16xf32> to vector<16xf32>
        %swap3A_311 = vector.shape_cast %add3A_306 : vector<16xf32> to vector<1x16xf32>
        tpu.vector_store %arg9[%swap3A_307, %swap3A_308], %swap3A_311 {strides = array<i32>} : memref<200x64xf32, #tpu.memory_space<vmem>>, vector<1x16xf32>,
        %get3A_312 = arith.index_cast %scan3A_284 : i32 to index
        %get3A_313 = arith.constant 32 : index
        %get3A_314 = tpu.vector_load %arg9[%get3A_312, %get3A_313] {strides = array<i32>} : memref<200x64xf32, #tpu.memory_space<vmem>>, vector<1x16xf32>,
        %get3A_315 = vector.shape_cast %get3A_314 : vector<1x16xf32> to vector<16xf32>
        %get3A_316 = arith.index_cast %scan3A_284 : i32 to index
        %get3A_317 = arith.constant 32 : index
        %get3A_318 = tpu.vector_load %arg7[%get3A_316, %get3A_317] {strides = array<i32>} : memref<200x64xf32, #tpu.memory_space<vmem>>, vector<1x16xf32>,
        %get3A_319 = vector.shape_cast %get3A_318 : vector<1x16xf32> to vector<16xf32>
        %add3A_320 = arith.addf %get3A_315, %get3A_319 : vector<16xf32>
        %swap3A_321 = arith.index_cast %scan3A_284 : i32 to index
        %swap3A_322 = arith.constant 32 : index
        %swap3A_323 = tpu.vector_load %arg9[%swap3A_321, %swap3A_322] {strides = array<i32>} : memref<200x64xf32, #tpu.memory_space<vmem>>, vector<1x16xf32>,
        %swap3A_324 = vector.shape_cast %swap3A_323 : vector<1x16xf32> to vector<16xf32>
        %swap3A_325 = vector.shape_cast %add3A_320 : vector<16xf32> to vector<1x16xf32>
        tpu.vector_store %arg9[%swap3A_321, %swap3A_322], %swap3A_325 {strides = array<i32>} : memref<200x64xf32, #tpu.memory_space<vmem>>, vector<1x16xf32>,
        %get3A_326 = arith.index_cast %scan3A_284 : i32 to index
        %get3A_327 = arith.constant 48 : index
        %get3A_328 = tpu.vector_load %arg9[%get3A_326, %get3A_327] {strides = array<i32>} : memref<200x64xf32, #tpu.memory_space<vmem>>, vector<1x16xf32>,
        %get3A_329 = vector.shape_cast %get3A_328 : vector<1x16xf32> to vector<16xf32>
        %get3A_330 = arith.index_cast %scan3A_284 : i32 to index
        %get3A_331 = arith.constant 48 : index
        %get3A_332 = tpu.vector_load %arg7[%get3A_330, %get3A_331] {strides = array<i32>} : memref<200x64xf32, #tpu.memory_space<vmem>>, vector<1x16xf32>,
        %get3A_333 = vector.shape_cast %get3A_332 : vector<1x16xf32> to vector<16xf32>
        %add3A_334 = arith.addf %get3A_329, %get3A_333 : vector<16xf32>
        %swap3A_335 = arith.index_cast %scan3A_284 : i32 to index
        %swap3A_336 = arith.constant 48 : index
        %swap3A_337 = tpu.vector_load %arg9[%swap3A_335, %swap3A_336] {strides = array<i32>} : memref<200x64xf32, #tpu.memory_space<vmem>>, vector<1x16xf32>,
        %swap3A_338 = vector.shape_cast %swap3A_337 : vector<1x16xf32> to vector<16xf32>
        %swap3A_339 = vector.shape_cast %add3A_334 : vector<16xf32> to vector<1x16xf32>
        tpu.vector_store %arg9[%swap3A_335, %swap3A_336], %swap3A_339 {strides = array<i32>} : memref<200x64xf32, #tpu.memory_space<vmem>>, vector<1x16xf32>,
        %scan3A_340 = arith.constant 0 : i32
        %scan3A_341 = arith.constant 1 : i32
        %scan3A_342 = arith.addi %scan3A_284, %scan3A_341 : i32
        %get3A_343 = arith.index_cast %scan3A_342 : i32 to index
        %get3A_344 = arith.constant 0 : index
        %get3A_345 = tpu.vector_load %arg9[%get3A_343, %get3A_344] {strides = array<i32>} : memref<200x64xf32, #tpu.memory_space<vmem>>, vector<1x16xf32>,
        %get3A_346 = vector.shape_cast %get3A_345 : vector<1x16xf32> to vector<16xf32>
        %get3A_347 = arith.index_cast %scan3A_342 : i32 to index
        %get3A_348 = arith.constant 0 : index
        %get3A_349 = tpu.vector_load %arg7[%get3A_347, %get3A_348] {strides = array<i32>} : memref<200x64xf32, #tpu.memory_space<vmem>>, vector<1x16xf32>,
        %get3A_350 = vector.shape_cast %get3A_349 : vector<1x16xf32> to vector<16xf32>
        %add3A_351 = arith.addf %get3A_346, %get3A_350 : vector<16xf32>
        %swap3A_352 = arith.index_cast %scan3A_342 : i32 to index
        %swap3A_353 = arith.constant 0 : index
        %swap3A_354 = tpu.vector_load %arg9[%swap3A_352, %swap3A_353] {strides = array<i32>} : memref<200x64xf32, #tpu.memory_space<vmem>>, vector<1x16xf32>,
        %swap3A_355 = vector.shape_cast %swap3A_354 : vector<1x16xf32> to vector<16xf32>
        %swap3A_356 = vector.shape_cast %add3A_351 : vector<16xf32> to vector<1x16xf32>
        tpu.vector_store %arg9[%swap3A_352, %swap3A_353], %swap3A_356 {strides = array<i32>} : memref<200x64xf32, #tpu.memory_space<vmem>>, vector<1x16xf32>,
        %get3A_357 = arith.index_cast %scan3A_342 : i32 to index
        %get3A_358 = arith.constant 16 : index
        %get3A_359 = tpu.vector_load %arg9[%get3A_357, %get3A_358] {strides = array<i32>} : memref<200x64xf32, #tpu.memory_space<vmem>>, vector<1x16xf32>,
        %get3A_360 = vector.shape_cast %get3A_359 : vector<1x16xf32> to vector<16xf32>
        %get3A_361 = arith.index_cast %scan3A_342 : i32 to index
        %get3A_362 = arith.constant 16 : index
        %get3A_363 = tpu.vector_load %arg7[%get3A_361, %get3A_362] {strides = array<i32>} : memref<200x64xf32, #tpu.memory_space<vmem>>, vector<1x16xf32>,
        %get3A_364 = vector.shape_cast %get3A_363 : vector<1x16xf32> to vector<16xf32>
        %add3A_365 = arith.addf %get3A_360, %get3A_364 : vector<16xf32>
        %swap3A_366 = arith.index_cast %scan3A_342 : i32 to index
        %swap3A_367 = arith.constant 16 : index
        %swap3A_368 = tpu.vector_load %arg9[%swap3A_366, %swap3A_367] {strides = array<i32>} : memref<200x64xf32, #tpu.memory_space<vmem>>, vector<1x16xf32>,
        %swap3A_369 = vector.shape_cast %swap3A_368 : vector<1x16xf32> to vector<16xf32>
        %swap3A_370 = vector.shape_cast %add3A_365 : vector<16xf32> to vector<1x16xf32>
        tpu.vector_store %arg9[%swap3A_366, %swap3A_367], %swap3A_370 {strides = array<i32>} : memref<200x64xf32, #tpu.memory_space<vmem>>, vector<1x16xf32>,
        %get3A_371 = arith.index_cast %scan3A_342 : i32 to index
        %get3A_372 = arith.constant 32 : index
        %get3A_373 = tpu.vector_load %arg9[%get3A_371, %get3A_372] {strides = array<i32>} : memref<200x64xf32, #tpu.memory_space<vmem>>, vector<1x16xf32>,
        %get3A_374 = vector.shape_cast %get3A_373 : vector<1x16xf32> to vector<16xf32>
        %get3A_375 = arith.index_cast %scan3A_342 : i32 to index
        %get3A_376 = arith.constant 32 : index
        %get3A_377 = tpu.vector_load %arg7[%get3A_375, %get3A_376] {strides = array<i32>} : memref<200x64xf32, #tpu.memory_space<vmem>>, vector<1x16xf32>,
        %get3A_378 = vector.shape_cast %get3A_377 : vector<1x16xf32> to vector<16xf32>
        %add3A_379 = arith.addf %get3A_374, %get3A_378 : vector<16xf32>
        %swap3A_380 = arith.index_cast %scan3A_342 : i32 to index
        %swap3A_381 = arith.constant 32 : index
        %swap3A_382 = tpu.vector_load %arg9[%swap3A_380, %swap3A_381] {strides = array<i32>} : memref<200x64xf32, #tpu.memory_space<vmem>>, vector<1x16xf32>,
        %swap3A_383 = vector.shape_cast %swap3A_382 : vector<1x16xf32> to vector<16xf32>
        %swap3A_384 = vector.shape_cast %add3A_379 : vector<16xf32> to vector<1x16xf32>
        tpu.vector_store %arg9[%swap3A_380, %swap3A_381], %swap3A_384 {strides = array<i32>} : memref<200x64xf32, #tpu.memory_space<vmem>>, vector<1x16xf32>,
        %get3A_385 = arith.index_cast %scan3A_342 : i32 to index
        %get3A_386 = arith.constant 48 : index
        %get3A_387 = tpu.vector_load %arg9[%get3A_385, %get3A_386] {strides = array<i32>} : memref<200x64xf32, #tpu.memory_space<vmem>>, vector<1x16xf32>,
        %get3A_388 = vector.shape_cast %get3A_387 : vector<1x16xf32> to vector<16xf32>
        %get3A_389 = arith.index_cast %scan3A_342 : i32 to index
        %get3A_390 = arith.constant 48 : index
        %get3A_391 = tpu.vector_load %arg7[%get3A_389, %get3A_390] {strides = array<i32>} : memref<200x64xf32, #tpu.memory_space<vmem>>, vector<1x16xf32>,
        %get3A_392 = vector.shape_cast %get3A_391 : vector<1x16xf32> to vector<16xf32>
        %add3A_393 = arith.addf %get3A_388, %get3A_392 : vector<16xf32>
        %swap3A_394 = arith.index_cast %scan3A_342 : i32 to index
        %swap3A_395 = arith.constant 48 : index
        %swap3A_396 = tpu.vector_load %arg9[%swap3A_394, %swap3A_395] {strides = array<i32>} : memref<200x64xf32, #tpu.memory_space<vmem>>, vector<1x16xf32>,
        %swap3A_397 = vector.shape_cast %swap3A_396 : vector<1x16xf32> to vector<16xf32>
        %swap3A_398 = vector.shape_cast %add3A_393 : vector<16xf32> to vector<1x16xf32>
        tpu.vector_store %arg9[%swap3A_394, %swap3A_395], %swap3A_398 {strides = array<i32>} : memref<200x64xf32, #tpu.memory_space<vmem>>, vector<1x16xf32>,
        %scan3A_399 = arith.constant 0 : i32
        %scan3A_400 = arith.constant 2 : i32
        %scan3A_401 = arith.addi %scan3A_284, %scan3A_400 : i32
        %get3A_402 = arith.index_cast %scan3A_401 : i32 to index
        %get3A_403 = arith.constant 0 : index
        %get3A_404 = tpu.vector_load %arg9[%get3A_402, %get3A_403] {strides = array<i32>} : memref<200x64xf32, #tpu.memory_space<vmem>>, vector<1x16xf32>,
        %get3A_405 = vector.shape_cast %get3A_404 : vector<1x16xf32> to vector<16xf32>
        %get3A_406 = arith.index_cast %scan3A_401 : i32 to index
        %get3A_407 = arith.constant 0 : index
        %get3A_408 = tpu.vector_load %arg7[%get3A_406, %get3A_407] {strides = array<i32>} : memref<200x64xf32, #tpu.memory_space<vmem>>, vector<1x16xf32>,
        %get3A_409 = vector.shape_cast %get3A_408 : vector<1x16xf32> to vector<16xf32>
        %add3A_410 = arith.addf %get3A_405, %get3A_409 : vector<16xf32>
        %swap3A_411 = arith.index_cast %scan3A_401 : i32 to index
        %swap3A_412 = arith.constant 0 : index
        %swap3A_413 = tpu.vector_load %arg9[%swap3A_411, %swap3A_412] {strides = array<i32>} : memref<200x64xf32, #tpu.memory_space<vmem>>, vector<1x16xf32>,
        %swap3A_414 = vector.shape_cast %swap3A_413 : vector<1x16xf32> to vector<16xf32>
        %swap3A_415 = vector.shape_cast %add3A_410 : vector<16xf32> to vector<1x16xf32>
        tpu.vector_store %arg9[%swap3A_411, %swap3A_412], %swap3A_415 {strides = array<i32>} : memref<200x64xf32, #tpu.memory_space<vmem>>, vector<1x16xf32>,
        %get3A_416 = arith.index_cast %scan3A_401 : i32 to index
        %get3A_417 = arith.constant 16 : index
        %get3A_418 = tpu.vector_load %arg9[%get3A_416, %get3A_417] {strides = array<i32>} : memref<200x64xf32, #tpu.memory_space<vmem>>, vector<1x16xf32>,
        %get3A_419 = vector.shape_cast %get3A_418 : vector<1x16xf32> to vector<16xf32>
        %get3A_420 = arith.index_cast %scan3A_401 : i32 to index
        %get3A_421 = arith.constant 16 : index
        %get3A_422 = tpu.vector_load %arg7[%get3A_420, %get3A_421] {strides = array<i32>} : memref<200x64xf32, #tpu.memory_space<vmem>>, vector<1x16xf32>,
        %get3A_423 = vector.shape_cast %get3A_422 : vector<1x16xf32> to vector<16xf32>
        %add3A_424 = arith.addf %get3A_419, %get3A_423 : vector<16xf32>
        %swap3A_425 = arith.index_cast %scan3A_401 : i32 to index
        %swap3A_426 = arith.constant 16 : index
        %swap3A_427 = tpu.vector_load %arg9[%swap3A_425, %swap3A_426] {strides = array<i32>} : memref<200x64xf32, #tpu.memory_space<vmem>>, vector<1x16xf32>,
        %swap3A_428 = vector.shape_cast %swap3A_427 : vector<1x16xf32> to vector<16xf32>
        %swap3A_429 = vector.shape_cast %add3A_424 : vector<16xf32> to vector<1x16xf32>
        tpu.vector_store %arg9[%swap3A_425, %swap3A_426], %swap3A_429 {strides = array<i32>} : memref<200x64xf32, #tpu.memory_space<vmem>>, vector<1x16xf32>,
        %get3A_430 = arith.index_cast %scan3A_401 : i32 to index
        %get3A_431 = arith.constant 32 : index
        %get3A_432 = tpu.vector_load %arg9[%get3A_430, %get3A_431] {strides = array<i32>} : memref<200x64xf32, #tpu.memory_space<vmem>>, vector<1x16xf32>,
        %get3A_433 = vector.shape_cast %get3A_432 : vector<1x16xf32> to vector<16xf32>
        %get3A_434 = arith.index_cast %scan3A_401 : i32 to index
        %get3A_435 = arith.constant 32 : index
        %get3A_436 = tpu.vector_load %arg7[%get3A_434, %get3A_435] {strides = array<i32>} : memref<200x64xf32, #tpu.memory_space<vmem>>, vector<1x16xf32>,
        %get3A_437 = vector.shape_cast %get3A_436 : vector<1x16xf32> to vector<16xf32>
        %add3A_438 = arith.addf %get3A_433, %get3A_437 : vector<16xf32>
        %swap3A_439 = arith.index_cast %scan3A_401 : i32 to index
        %swap3A_440 = arith.constant 32 : index
        %swap3A_441 = tpu.vector_load %arg9[%swap3A_439, %swap3A_440] {strides = array<i32>} : memref<200x64xf32, #tpu.memory_space<vmem>>, vector<1x16xf32>,
        %swap3A_442 = vector.shape_cast %swap3A_441 : vector<1x16xf32> to vector<16xf32>
        %swap3A_443 = vector.shape_cast %add3A_438 : vector<16xf32> to vector<1x16xf32>
        tpu.vector_store %arg9[%swap3A_439, %swap3A_440], %swap3A_443 {strides = array<i32>} : memref<200x64xf32, #tpu.memory_space<vmem>>, vector<1x16xf32>,
        %get3A_444 = arith.index_cast %scan3A_401 : i32 to index
        %get3A_445 = arith.constant 48 : index
        %get3A_446 = tpu.vector_load %arg9[%get3A_444, %get3A_445] {strides = array<i32>} : memref<200x64xf32, #tpu.memory_space<vmem>>, vector<1x16xf32>,
        %get3A_447 = vector.shape_cast %get3A_446 : vector<1x16xf32> to vector<16xf32>
        %get3A_448 = arith.index_cast %scan3A_401 : i32 to index
        %get3A_449 = arith.constant 48 : index
        %get3A_450 = tpu.vector_load %arg7[%get3A_448, %get3A_449] {strides = array<i32>} : memref<200x64xf32, #tpu.memory_space<vmem>>, vector<1x16xf32>,
        %get3A_451 = vector.shape_cast %get3A_450 : vector<1x16xf32> to vector<16xf32>
        %add3A_452 = arith.addf %get3A_447, %get3A_451 : vector<16xf32>
        %swap3A_453 = arith.index_cast %scan3A_401 : i32 to index
        %swap3A_454 = arith.constant 48 : index
        %swap3A_455 = tpu.vector_load %arg9[%swap3A_453, %swap3A_454] {strides = array<i32>} : memref<200x64xf32, #tpu.memory_space<vmem>>, vector<1x16xf32>,
        %swap3A_456 = vector.shape_cast %swap3A_455 : vector<1x16xf32> to vector<16xf32>
        %swap3A_457 = vector.shape_cast %add3A_452 : vector<16xf32> to vector<1x16xf32>
        tpu.vector_store %arg9[%swap3A_453, %swap3A_454], %swap3A_457 {strides = array<i32>} : memref<200x64xf32, #tpu.memory_space<vmem>>, vector<1x16xf32>,
        %scan3A_458 = arith.constant 0 : i32
        %scan3A_459 = arith.constant 3 : i32
        %scan3A_460 = arith.addi %scan3A_284, %scan3A_459 : i32
        %get3A_461 = arith.index_cast %scan3A_460 : i32 to index
        %get3A_462 = arith.constant 0 : index
        %get3A_463 = tpu.vector_load %arg9[%get3A_461, %get3A_462] {strides = array<i32>} : memref<200x64xf32, #tpu.memory_space<vmem>>, vector<1x16xf32>,
        %get3A_464 = vector.shape_cast %get3A_463 : vector<1x16xf32> to vector<16xf32>
        %get3A_465 = arith.index_cast %scan3A_460 : i32 to index
        %get3A_466 = arith.constant 0 : index
        %get3A_467 = tpu.vector_load %arg7[%get3A_465, %get3A_466] {strides = array<i32>} : memref<200x64xf32, #tpu.memory_space<vmem>>, vector<1x16xf32>,
        %get3A_468 = vector.shape_cast %get3A_467 : vector<1x16xf32> to vector<16xf32>
        %add3A_469 = arith.addf %get3A_464, %get3A_468 : vector<16xf32>
        %swap3A_470 = arith.index_cast %scan3A_460 : i32 to index
        %swap3A_471 = arith.constant 0 : index
        %swap3A_472 = tpu.vector_load %arg9[%swap3A_470, %swap3A_471] {strides = array<i32>} : memref<200x64xf32, #tpu.memory_space<vmem>>, vector<1x16xf32>,
        %swap3A_473 = vector.shape_cast %swap3A_472 : vector<1x16xf32> to vector<16xf32>
        %swap3A_474 = vector.shape_cast %add3A_469 : vector<16xf32> to vector<1x16xf32>
        tpu.vector_store %arg9[%swap3A_470, %swap3A_471], %swap3A_474 {strides = array<i32>} : memref<200x64xf32, #tpu.memory_space<vmem>>, vector<1x16xf32>,
        %get3A_475 = arith.index_cast %scan3A_460 : i32 to index
        %get3A_476 = arith.constant 16 : index
        %get3A_477 = tpu.vector_load %arg9[%get3A_475, %get3A_476] {strides = array<i32>} : memref<200x64xf32, #tpu.memory_space<vmem>>, vector<1x16xf32>,
        %get3A_478 = vector.shape_cast %get3A_477 : vector<1x16xf32> to vector<16xf32>
        %get3A_479 = arith.index_cast %scan3A_460 : i32 to index
        %get3A_480 = arith.constant 16 : index
        %get3A_481 = tpu.vector_load %arg7[%get3A_479, %get3A_480] {strides = array<i32>} : memref<200x64xf32, #tpu.memory_space<vmem>>, vector<1x16xf32>,
        %get3A_482 = vector.shape_cast %get3A_481 : vector<1x16xf32> to vector<16xf32>
        %add3A_483 = arith.addf %get3A_478, %get3A_482 : vector<16xf32>
        %swap3A_484 = arith.index_cast %scan3A_460 : i32 to index
        %swap3A_485 = arith.constant 16 : index
        %swap3A_486 = tpu.vector_load %arg9[%swap3A_484, %swap3A_485] {strides = array<i32>} : memref<200x64xf32, #tpu.memory_space<vmem>>, vector<1x16xf32>,
        %swap3A_487 = vector.shape_cast %swap3A_486 : vector<1x16xf32> to vector<16xf32>
        %swap3A_488 = vector.shape_cast %add3A_483 : vector<16xf32> to vector<1x16xf32>
        tpu.vector_store %arg9[%swap3A_484, %swap3A_485], %swap3A_488 {strides = array<i32>} : memref<200x64xf32, #tpu.memory_space<vmem>>, vector<1x16xf32>,
        %get3A_489 = arith.index_cast %scan3A_460 : i32 to index
        %get3A_490 = arith.constant 32 : index
        %get3A_491 = tpu.vector_load %arg9[%get3A_489, %get3A_490] {strides = array<i32>} : memref<200x64xf32, #tpu.memory_space<vmem>>, vector<1x16xf32>,
        %get3A_492 = vector.shape_cast %get3A_491 : vector<1x16xf32> to vector<16xf32>
        %get3A_493 = arith.index_cast %scan3A_460 : i32 to index
        %get3A_494 = arith.constant 32 : index
        %get3A_495 = tpu.vector_load %arg7[%get3A_493, %get3A_494] {strides = array<i32>} : memref<200x64xf32, #tpu.memory_space<vmem>>, vector<1x16xf32>,
        %get3A_496 = vector.shape_cast %get3A_495 : vector<1x16xf32> to vector<16xf32>
        %add3A_497 = arith.addf %get3A_492, %get3A_496 : vector<16xf32>
        %swap3A_498 = arith.index_cast %scan3A_460 : i32 to index
        %swap3A_499 = arith.constant 32 : index
        %swap3A_500 = tpu.vector_load %arg9[%swap3A_498, %swap3A_499] {strides = array<i32>} : memref<200x64xf32, #tpu.memory_space<vmem>>, vector<1x16xf32>,
        %swap3A_501 = vector.shape_cast %swap3A_500 : vector<1x16xf32> to vector<16xf32>
        %swap3A_502 = vector.shape_cast %add3A_497 : vector<16xf32> to vector<1x16xf32>
        tpu.vector_store %arg9[%swap3A_498, %swap3A_499], %swap3A_502 {strides = array<i32>} : memref<200x64xf32, #tpu.memory_space<vmem>>, vector<1x16xf32>,
        %get3A_503 = arith.index_cast %scan3A_460 : i32 to index
        %get3A_504 = arith.constant 48 : index
        %get3A_505 = tpu.vector_load %arg9[%get3A_503, %get3A_504] {strides = array<i32>} : memref<200x64xf32, #tpu.memory_space<vmem>>, vector<1x16xf32>,
        %get3A_506 = vector.shape_cast %get3A_505 : vector<1x16xf32> to vector<16xf32>
        %get3A_507 = arith.index_cast %scan3A_460 : i32 to index
        %get3A_508 = arith.constant 48 : index
        %get3A_509 = tpu.vector_load %arg7[%get3A_507, %get3A_508] {strides = array<i32>} : memref<200x64xf32, #tpu.memory_space<vmem>>, vector<1x16xf32>,
        %get3A_510 = vector.shape_cast %get3A_509 : vector<1x16xf32> to vector<16xf32>
        %add3A_511 = arith.addf %get3A_506, %get3A_510 : vector<16xf32>
        %swap3A_512 = arith.index_cast %scan3A_460 : i32 to index
        %swap3A_513 = arith.constant 48 : index
        %swap3A_514 = tpu.vector_load %arg9[%swap3A_512, %swap3A_513] {strides = array<i32>} : memref<200x64xf32, #tpu.memory_space<vmem>>, vector<1x16xf32>,
        %swap3A_515 = vector.shape_cast %swap3A_514 : vector<1x16xf32> to vector<16xf32>
        %swap3A_516 = vector.shape_cast %add3A_511 : vector<16xf32> to vector<1x16xf32>
        tpu.vector_store %arg9[%swap3A_512, %swap3A_513], %swap3A_516 {strides = array<i32>} : memref<200x64xf32, #tpu.memory_space<vmem>>, vector<1x16xf32>,
        %scan3A_517 = arith.constant 0 : i32
        scf.yield %scan3A_517 : i32
      }
      %scan3A_177 = arith.constant 200 : i32
      %add3A_178 = arith.addi %mul3A_2, %add3A_152 : i32
      %dma_start3A_179 = arith.constant 0 : i32
      %dma_start3A_180 = arith.constant 0 : i32
      %dma_start3A_181 = tpu.memref_slice %arg5[%add3A_178, %dma_start3A_179, %dma_start3A_180] : memref<4096x200x64xf32, #tpu.memory_space<hbm>> -> memref<1x200x64xf32, #tpu.memory_space<hbm>>
      %dma_start3A_182 = tpu.memref_squeeze %dma_start3A_181 : memref<1x200x64xf32, #tpu.memory_space<hbm>> -> memref<200x64xf32, #tpu.memory_space<hbm>>
      %dma_start3A_183 = arith.constant 0 : i32
      %dma_start3A_184 = arith.constant 0 : i32
      %dma_start3A_185 = tpu.memref_slice %arg5[%add3A_178, %dma_start3A_183, %dma_start3A_184] : memref<4096x200x64xf32, #tpu.memory_space<hbm>> -> memref<1x200x64xf32, #tpu.memory_space<hbm>>
      %dma_start3A_186 = tpu.memref_squeeze %dma_start3A_185 : memref<1x200x64xf32, #tpu.memory_space<hbm>> -> memref<200x64xf32, #tpu.memory_space<hbm>>
      tpu.enqueue_dma source(%arg9 : memref<200x64xf32, #tpu.memory_space<vmem>>) target(%dma_start3A_186 : memref<200x64xf32, #tpu.memory_space<hbm>>) target_semaphore(%arg17 : memref<!tpu.dma_semaphore, #tpu.memory_space<semaphore_mem>>)
      %add3A_187 = arith.constant 3 : i32
      %add3A_188 = arith.addi %add3A_152, %add3A_187 : i32
      %lt3A_189 = arith.constant 128 : i32
      %lt3A_190 = arith.cmpi slt, %add3A_188, %lt3A_189 : i32
      %convert_element_type3A_191 = arith.extui %lt3A_190 : i1 to i32
      %cond3A_192 = arith.constant 0 : i32
      %cond3A_193 = arith.cmpi ne, %convert_element_type3A_191, %cond3A_192 : i32
      scf.if %cond3A_193 {
        %ge3A = arith.constant 4 : i32
        %ge3A_284 = arith.cmpi sge, %add3A_188, %ge3A : i32
        %convert_element_type3A_285 = arith.extui %ge3A_284 : i1 to i32
        %cond3A_286 = arith.constant 0 : i32
        %cond3A_287 = arith.cmpi ne, %convert_element_type3A_285, %cond3A_286 : i32
        scf.if %cond3A_287 {
          %sub3A = arith.constant 4 : i32
          %sub3A_306 = arith.subi %add3A_188, %sub3A : i32
          %add3A_307 = arith.addi %mul3A_2, %sub3A_306 : i32
          %dma_wait3A_308 = arith.constant 0 : i32
          %dma_wait3A_309 = arith.constant 0 : i32
          %dma_wait3A_310 = tpu.memref_slice %arg5[%add3A_307, %dma_wait3A_308, %dma_wait3A_309] : memref<4096x200x64xf32, #tpu.memory_space<hbm>> -> memref<1x200x64xf32, #tpu.memory_space<hbm>>
          %dma_wait3A_311 = tpu.memref_squeeze %dma_wait3A_310 : memref<1x200x64xf32, #tpu.memory_space<hbm>> -> memref<200x64xf32, #tpu.memory_space<hbm>>
          %dma_wait3A_312 = arith.constant 0 : i32
          %dma_wait3A_313 = arith.constant 0 : i32
          %dma_wait3A_314 = tpu.memref_slice %arg5[%add3A_307, %dma_wait3A_312, %dma_wait3A_313] : memref<4096x200x64xf32, #tpu.memory_space<hbm>> -> memref<1x200x64xf32, #tpu.memory_space<hbm>>
          %dma_wait3A_315 = tpu.memref_squeeze %dma_wait3A_314 : memref<1x200x64xf32, #tpu.memory_space<hbm>> -> memref<200x64xf32, #tpu.memory_space<hbm>>
          tpu.wait_dma2 semaphore(%arg16 : memref<!tpu.dma_semaphore, #tpu.memory_space<semaphore_mem>>) src(%arg8 : memref<200x64xf32, #tpu.memory_space<vmem>>) dst(%dma_wait3A_315 : memref<200x64xf32, #tpu.memory_space<hbm>>)
        } else {
        }
        %dma_start3A_288 = arith.constant 0 : i32
        %dma_start3A_289 = arith.constant 0 : i32
        %dma_start3A_290 = tpu.memref_slice %arg8[%dma_start3A_288, %dma_start3A_289] : memref<200x64xf32, #tpu.memory_space<vmem>> -> memref<128x64xf32, #tpu.memory_space<vmem>>
        %dma_start3A_291 = arith.constant 0 : i32
        %dma_start3A_292 = tpu.memref_slice %arg6[%add3A_188, %dma_start3A_291] : memref<128x200xi32, #tpu.memory_space<vmem>> -> memref<1x128xi32, #tpu.memory_space<vmem>>
        %dma_start3A_293 = tpu.memref_squeeze %dma_start3A_292 : memref<1x128xi32, #tpu.memory_space<vmem>> -> memref<128xi32, #tpu.memory_space<vmem>>
        %dma_start3A_294 = arith.constant 0 : i32
        %dma_start3A_295 = arith.constant 0 : i32
        %dma_start3A_296 = tpu.memref_slice %arg3[%dma_start3A_294, %dma_start3A_295] : memref<1000000x64xf32, #tpu.memory_space<hbm>> -> memref<1000000x64xf32, #tpu.memory_space<hbm>>
        tpu.enqueue_indirect_dma source(%dma_start3A_296 : memref<1000000x64xf32, #tpu.memory_space<hbm>>) target(%dma_start3A_290 : memref<128x64xf32, #tpu.memory_space<vmem>>) offsets(%dma_start3A_293 : memref<128xi32, #tpu.memory_space<vmem>>) semaphore(%arg12 : memref<!tpu.dma_semaphore, #tpu.memory_space<semaphore_mem>>)
        %dma_start3A_297 = arith.constant 128 : i32
        %dma_start3A_298 = arith.constant 0 : i32
        %dma_start3A_299 = tpu.memref_slice %arg8[%dma_start3A_297, %dma_start3A_298] : memref<200x64xf32, #tpu.memory_space<vmem>> -> memref<72x64xf32, #tpu.memory_space<vmem>>
        %dma_start3A_300 = arith.constant 128 : i32
        %dma_start3A_301 = tpu.memref_slice %arg6[%add3A_188, %dma_start3A_300] : memref<128x200xi32, #tpu.memory_space<vmem>> -> memref<1x72xi32, #tpu.memory_space<vmem>>
        %dma_start3A_302 = tpu.memref_squeeze %dma_start3A_301 : memref<1x72xi32, #tpu.memory_space<vmem>> -> memref<72xi32, #tpu.memory_space<vmem>>
        %dma_start3A_303 = arith.constant 0 : i32
        %dma_start3A_304 = arith.constant 0 : i32
        %dma_start3A_305 = tpu.memref_slice %arg3[%dma_start3A_303, %dma_start3A_304] : memref<1000000x64xf32, #tpu.memory_space<hbm>> -> memref<1000000x64xf32, #tpu.memory_space<hbm>>
        tpu.enqueue_indirect_dma source(%dma_start3A_305 : memref<1000000x64xf32, #tpu.memory_space<hbm>>) target(%dma_start3A_299 : memref<72x64xf32, #tpu.memory_space<vmem>>) offsets(%dma_start3A_302 : memref<72xi32, #tpu.memory_space<vmem>>) semaphore(%arg12 : memref<!tpu.dma_semaphore, #tpu.memory_space<semaphore_mem>>)
      } else {
      }
      %mul3A_194 = arith.constant 4 : i32
      %mul3A_195 = arith.muli %scan3A_106, %mul3A_194 : i32
      %add3A_196 = arith.constant 2 : i32
      %add3A_197 = arith.addi %mul3A_195, %add3A_196 : i32
      %dma_wait3A_198 = arith.constant 0 : i32
      %dma_wait3A_199 = arith.constant 0 : i32
      %dma_wait3A_200 = tpu.memref_slice %arg10[%dma_wait3A_198, %dma_wait3A_199] : memref<200x64xf32, #tpu.memory_space<vmem>> -> memref<128x64xf32, #tpu.memory_space<vmem>>
      %dma_wait3A_201 = arith.constant 0 : i32
      %dma_wait3A_202 = tpu.memref_slice %arg6[%add3A_197, %dma_wait3A_201] : memref<128x200xi32, #tpu.memory_space<vmem>> -> memref<1x128xi32, #tpu.memory_space<vmem>>
      %dma_wait3A_203 = tpu.memref_squeeze %dma_wait3A_202 : memref<1x128xi32, #tpu.memory_space<vmem>> -> memref<128xi32, #tpu.memory_space<vmem>>
      %dma_wait3A_204 = arith.constant 0 : i32
      %dma_wait3A_205 = arith.constant 0 : i32
      %dma_wait3A_206 = tpu.memref_slice %arg3[%dma_wait3A_204, %dma_wait3A_205] : memref<1000000x64xf32, #tpu.memory_space<hbm>> -> memref<1000000x64xf32, #tpu.memory_space<hbm>>
      tpu.wait_indirect_dma semaphore(%arg14 : memref<!tpu.dma_semaphore, #tpu.memory_space<semaphore_mem>>) src(%dma_wait3A_206 : memref<1000000x64xf32, #tpu.memory_space<hbm>>) dst(%dma_wait3A_200 : memref<128x64xf32, #tpu.memory_space<vmem>>)
      %dma_wait3A_207 = arith.constant 128 : i32
      %dma_wait3A_208 = arith.constant 0 : i32
      %dma_wait3A_209 = tpu.memref_slice %arg10[%dma_wait3A_207, %dma_wait3A_208] : memref<200x64xf32, #tpu.memory_space<vmem>> -> memref<72x64xf32, #tpu.memory_space<vmem>>
      %dma_wait3A_210 = arith.constant 128 : i32
      %dma_wait3A_211 = tpu.memref_slice %arg6[%add3A_197, %dma_wait3A_210] : memref<128x200xi32, #tpu.memory_space<vmem>> -> memref<1x72xi32, #tpu.memory_space<vmem>>
      %dma_wait3A_212 = tpu.memref_squeeze %dma_wait3A_211 : memref<1x72xi32, #tpu.memory_space<vmem>> -> memref<72xi32, #tpu.memory_space<vmem>>
      %dma_wait3A_213 = arith.constant 0 : i32
      %dma_wait3A_214 = arith.constant 0 : i32
      %dma_wait3A_215 = tpu.memref_slice %arg3[%dma_wait3A_213, %dma_wait3A_214] : memref<1000000x64xf32, #tpu.memory_space<hbm>> -> memref<1000000x64xf32, #tpu.memory_space<hbm>>
      tpu.wait_indirect_dma semaphore(%arg14 : memref<!tpu.dma_semaphore, #tpu.memory_space<semaphore_mem>>) src(%dma_wait3A_215 : memref<1000000x64xf32, #tpu.memory_space<hbm>>) dst(%dma_wait3A_209 : memref<72x64xf32, #tpu.memory_space<vmem>>)
      %scan3A_216 = arith.constant 0 : i32
      %scan3A_217 = arith.constant 0 : i32
      %scan3A_218 = arith.constant 200 : i32
      %scan3A_219 = arith.addi %scan3A_217, %scan3A_218 : i32
      %scan3A_220 = arith.constant 4 : i32
      %scan3A_221 = scf.for %scan3A_284 = %scan3A_217 to %scan3A_219 step %scan3A_220 iter_args(%scan3A_285 = %scan3A_216) -> (i32)  : i32 {
        %get3A = arith.index_cast %scan3A_284 : i32 to index
        %get3A_286 = arith.constant 0 : index
        %get3A_287 = tpu.vector_load %arg10[%get3A, %get3A_286] {strides = array<i32>} : memref<200x64xf32, #tpu.memory_space<vmem>>, vector<1x16xf32>,
        %get3A_288 = vector.shape_cast %get3A_287 : vector<1x16xf32> to vector<16xf32>
        %get3A_289 = arith.index_cast %scan3A_284 : i32 to index
        %get3A_290 = arith.constant 0 : index
        %get3A_291 = tpu.vector_load %arg7[%get3A_289, %get3A_290] {strides = array<i32>} : memref<200x64xf32, #tpu.memory_space<vmem>>, vector<1x16xf32>,
        %get3A_292 = vector.shape_cast %get3A_291 : vector<1x16xf32> to vector<16xf32>
        %add3A_293 = arith.addf %get3A_288, %get3A_292 : vector<16xf32>
        %swap3A = arith.index_cast %scan3A_284 : i32 to index
        %swap3A_294 = arith.constant 0 : index
        %swap3A_295 = tpu.vector_load %arg10[%swap3A, %swap3A_294] {strides = array<i32>} : memref<200x64xf32, #tpu.memory_space<vmem>>, vector<1x16xf32>,
        %swap3A_296 = vector.shape_cast %swap3A_295 : vector<1x16xf32> to vector<16xf32>
        %swap3A_297 = vector.shape_cast %add3A_293 : vector<16xf32> to vector<1x16xf32>
        tpu.vector_store %arg10[%swap3A, %swap3A_294], %swap3A_297 {strides = array<i32>} : memref<200x64xf32, #tpu.memory_space<vmem>>, vector<1x16xf32>,
        %get3A_298 = arith.index_cast %scan3A_284 : i32 to index
        %get3A_299 = arith.constant 16 : index
        %get3A_300 = tpu.vector_load %arg10[%get3A_298, %get3A_299] {strides = array<i32>} : memref<200x64xf32, #tpu.memory_space<vmem>>, vector<1x16xf32>,
        %get3A_301 = vector.shape_cast %get3A_300 : vector<1x16xf32> to vector<16xf32>
        %get3A_302 = arith.index_cast %scan3A_284 : i32 to index
        %get3A_303 = arith.constant 16 : index
        %get3A_304 = tpu.vector_load %arg7[%get3A_302, %get3A_303] {strides = array<i32>} : memref<200x64xf32, #tpu.memory_space<vmem>>, vector<1x16xf32>,
        %get3A_305 = vector.shape_cast %get3A_304 : vector<1x16xf32> to vector<16xf32>
        %add3A_306 = arith.addf %get3A_301, %get3A_305 : vector<16xf32>
        %swap3A_307 = arith.index_cast %scan3A_284 : i32 to index
        %swap3A_308 = arith.constant 16 : index
        %swap3A_309 = tpu.vector_load %arg10[%swap3A_307, %swap3A_308] {strides = array<i32>} : memref<200x64xf32, #tpu.memory_space<vmem>>, vector<1x16xf32>,
        %swap3A_310 = vector.shape_cast %swap3A_309 : vector<1x16xf32> to vector<16xf32>
        %swap3A_311 = vector.shape_cast %add3A_306 : vector<16xf32> to vector<1x16xf32>
        tpu.vector_store %arg10[%swap3A_307, %swap3A_308], %swap3A_311 {strides = array<i32>} : memref<200x64xf32, #tpu.memory_space<vmem>>, vector<1x16xf32>,
        %get3A_312 = arith.index_cast %scan3A_284 : i32 to index
        %get3A_313 = arith.constant 32 : index
        %get3A_314 = tpu.vector_load %arg10[%get3A_312, %get3A_313] {strides = array<i32>} : memref<200x64xf32, #tpu.memory_space<vmem>>, vector<1x16xf32>,
        %get3A_315 = vector.shape_cast %get3A_314 : vector<1x16xf32> to vector<16xf32>
        %get3A_316 = arith.index_cast %scan3A_284 : i32 to index
        %get3A_317 = arith.constant 32 : index
        %get3A_318 = tpu.vector_load %arg7[%get3A_316, %get3A_317] {strides = array<i32>} : memref<200x64xf32, #tpu.memory_space<vmem>>, vector<1x16xf32>,
        %get3A_319 = vector.shape_cast %get3A_318 : vector<1x16xf32> to vector<16xf32>
        %add3A_320 = arith.addf %get3A_315, %get3A_319 : vector<16xf32>
        %swap3A_321 = arith.index_cast %scan3A_284 : i32 to index
        %swap3A_322 = arith.constant 32 : index
        %swap3A_323 = tpu.vector_load %arg10[%swap3A_321, %swap3A_322] {strides = array<i32>} : memref<200x64xf32, #tpu.memory_space<vmem>>, vector<1x16xf32>,
        %swap3A_324 = vector.shape_cast %swap3A_323 : vector<1x16xf32> to vector<16xf32>
        %swap3A_325 = vector.shape_cast %add3A_320 : vector<16xf32> to vector<1x16xf32>
        tpu.vector_store %arg10[%swap3A_321, %swap3A_322], %swap3A_325 {strides = array<i32>} : memref<200x64xf32, #tpu.memory_space<vmem>>, vector<1x16xf32>,
        %get3A_326 = arith.index_cast %scan3A_284 : i32 to index
        %get3A_327 = arith.constant 48 : index
        %get3A_328 = tpu.vector_load %arg10[%get3A_326, %get3A_327] {strides = array<i32>} : memref<200x64xf32, #tpu.memory_space<vmem>>, vector<1x16xf32>,
        %get3A_329 = vector.shape_cast %get3A_328 : vector<1x16xf32> to vector<16xf32>
        %get3A_330 = arith.index_cast %scan3A_284 : i32 to index
        %get3A_331 = arith.constant 48 : index
        %get3A_332 = tpu.vector_load %arg7[%get3A_330, %get3A_331] {strides = array<i32>} : memref<200x64xf32, #tpu.memory_space<vmem>>, vector<1x16xf32>,
        %get3A_333 = vector.shape_cast %get3A_332 : vector<1x16xf32> to vector<16xf32>
        %add3A_334 = arith.addf %get3A_329, %get3A_333 : vector<16xf32>
        %swap3A_335 = arith.index_cast %scan3A_284 : i32 to index
        %swap3A_336 = arith.constant 48 : index
        %swap3A_337 = tpu.vector_load %arg10[%swap3A_335, %swap3A_336] {strides = array<i32>} : memref<200x64xf32, #tpu.memory_space<vmem>>, vector<1x16xf32>,
        %swap3A_338 = vector.shape_cast %swap3A_337 : vector<1x16xf32> to vector<16xf32>
        %swap3A_339 = vector.shape_cast %add3A_334 : vector<16xf32> to vector<1x16xf32>
        tpu.vector_store %arg10[%swap3A_335, %swap3A_336], %swap3A_339 {strides = array<i32>} : memref<200x64xf32, #tpu.memory_space<vmem>>, vector<1x16xf32>,
        %scan3A_340 = arith.constant 0 : i32
        %scan3A_341 = arith.constant 1 : i32
        %scan3A_342 = arith.addi %scan3A_284, %scan3A_341 : i32
        %get3A_343 = arith.index_cast %scan3A_342 : i32 to index
        %get3A_344 = arith.constant 0 : index
        %get3A_345 = tpu.vector_load %arg10[%get3A_343, %get3A_344] {strides = array<i32>} : memref<200x64xf32, #tpu.memory_space<vmem>>, vector<1x16xf32>,
        %get3A_346 = vector.shape_cast %get3A_345 : vector<1x16xf32> to vector<16xf32>
        %get3A_347 = arith.index_cast %scan3A_342 : i32 to index
        %get3A_348 = arith.constant 0 : index
        %get3A_349 = tpu.vector_load %arg7[%get3A_347, %get3A_348] {strides = array<i32>} : memref<200x64xf32, #tpu.memory_space<vmem>>, vector<1x16xf32>,
        %get3A_350 = vector.shape_cast %get3A_349 : vector<1x16xf32> to vector<16xf32>
        %add3A_351 = arith.addf %get3A_346, %get3A_350 : vector<16xf32>
        %swap3A_352 = arith.index_cast %scan3A_342 : i32 to index
        %swap3A_353 = arith.constant 0 : index
        %swap3A_354 = tpu.vector_load %arg10[%swap3A_352, %swap3A_353] {strides = array<i32>} : memref<200x64xf32, #tpu.memory_space<vmem>>, vector<1x16xf32>,
        %swap3A_355 = vector.shape_cast %swap3A_354 : vector<1x16xf32> to vector<16xf32>
        %swap3A_356 = vector.shape_cast %add3A_351 : vector<16xf32> to vector<1x16xf32>
        tpu.vector_store %arg10[%swap3A_352, %swap3A_353], %swap3A_356 {strides = array<i32>} : memref<200x64xf32, #tpu.memory_space<vmem>>, vector<1x16xf32>,
        %get3A_357 = arith.index_cast %scan3A_342 : i32 to index
        %get3A_358 = arith.constant 16 : index
        %get3A_359 = tpu.vector_load %arg10[%get3A_357, %get3A_358] {strides = array<i32>} : memref<200x64xf32, #tpu.memory_space<vmem>>, vector<1x16xf32>,
        %get3A_360 = vector.shape_cast %get3A_359 : vector<1x16xf32> to vector<16xf32>
        %get3A_361 = arith.index_cast %scan3A_342 : i32 to index
        %get3A_362 = arith.constant 16 : index
        %get3A_363 = tpu.vector_load %arg7[%get3A_361, %get3A_362] {strides = array<i32>} : memref<200x64xf32, #tpu.memory_space<vmem>>, vector<1x16xf32>,
        %get3A_364 = vector.shape_cast %get3A_363 : vector<1x16xf32> to vector<16xf32>
        %add3A_365 = arith.addf %get3A_360, %get3A_364 : vector<16xf32>
        %swap3A_366 = arith.index_cast %scan3A_342 : i32 to index
        %swap3A_367 = arith.constant 16 : index
        %swap3A_368 = tpu.vector_load %arg10[%swap3A_366, %swap3A_367] {strides = array<i32>} : memref<200x64xf32, #tpu.memory_space<vmem>>, vector<1x16xf32>,
        %swap3A_369 = vector.shape_cast %swap3A_368 : vector<1x16xf32> to vector<16xf32>
        %swap3A_370 = vector.shape_cast %add3A_365 : vector<16xf32> to vector<1x16xf32>
        tpu.vector_store %arg10[%swap3A_366, %swap3A_367], %swap3A_370 {strides = array<i32>} : memref<200x64xf32, #tpu.memory_space<vmem>>, vector<1x16xf32>,
        %get3A_371 = arith.index_cast %scan3A_342 : i32 to index
        %get3A_372 = arith.constant 32 : index
        %get3A_373 = tpu.vector_load %arg10[%get3A_371, %get3A_372] {strides = array<i32>} : memref<200x64xf32, #tpu.memory_space<vmem>>, vector<1x16xf32>,
        %get3A_374 = vector.shape_cast %get3A_373 : vector<1x16xf32> to vector<16xf32>
        %get3A_375 = arith.index_cast %scan3A_342 : i32 to index
        %get3A_376 = arith.constant 32 : index
        %get3A_377 = tpu.vector_load %arg7[%get3A_375, %get3A_376] {strides = array<i32>} : memref<200x64xf32, #tpu.memory_space<vmem>>, vector<1x16xf32>,
        %get3A_378 = vector.shape_cast %get3A_377 : vector<1x16xf32> to vector<16xf32>
        %add3A_379 = arith.addf %get3A_374, %get3A_378 : vector<16xf32>
        %swap3A_380 = arith.index_cast %scan3A_342 : i32 to index
        %swap3A_381 = arith.constant 32 : index
        %swap3A_382 = tpu.vector_load %arg10[%swap3A_380, %swap3A_381] {strides = array<i32>} : memref<200x64xf32, #tpu.memory_space<vmem>>, vector<1x16xf32>,
        %swap3A_383 = vector.shape_cast %swap3A_382 : vector<1x16xf32> to vector<16xf32>
        %swap3A_384 = vector.shape_cast %add3A_379 : vector<16xf32> to vector<1x16xf32>
        tpu.vector_store %arg10[%swap3A_380, %swap3A_381], %swap3A_384 {strides = array<i32>} : memref<200x64xf32, #tpu.memory_space<vmem>>, vector<1x16xf32>,
        %get3A_385 = arith.index_cast %scan3A_342 : i32 to index
        %get3A_386 = arith.constant 48 : index
        %get3A_387 = tpu.vector_load %arg10[%get3A_385, %get3A_386] {strides = array<i32>} : memref<200x64xf32, #tpu.memory_space<vmem>>, vector<1x16xf32>,
        %get3A_388 = vector.shape_cast %get3A_387 : vector<1x16xf32> to vector<16xf32>
        %get3A_389 = arith.index_cast %scan3A_342 : i32 to index
        %get3A_390 = arith.constant 48 : index
        %get3A_391 = tpu.vector_load %arg7[%get3A_389, %get3A_390] {strides = array<i32>} : memref<200x64xf32, #tpu.memory_space<vmem>>, vector<1x16xf32>,
        %get3A_392 = vector.shape_cast %get3A_391 : vector<1x16xf32> to vector<16xf32>
        %add3A_393 = arith.addf %get3A_388, %get3A_392 : vector<16xf32>
        %swap3A_394 = arith.index_cast %scan3A_342 : i32 to index
        %swap3A_395 = arith.constant 48 : index
        %swap3A_396 = tpu.vector_load %arg10[%swap3A_394, %swap3A_395] {strides = array<i32>} : memref<200x64xf32, #tpu.memory_space<vmem>>, vector<1x16xf32>,
        %swap3A_397 = vector.shape_cast %swap3A_396 : vector<1x16xf32> to vector<16xf32>
        %swap3A_398 = vector.shape_cast %add3A_393 : vector<16xf32> to vector<1x16xf32>
        tpu.vector_store %arg10[%swap3A_394, %swap3A_395], %swap3A_398 {strides = array<i32>} : memref<200x64xf32, #tpu.memory_space<vmem>>, vector<1x16xf32>,
        %scan3A_399 = arith.constant 0 : i32
        %scan3A_400 = arith.constant 2 : i32
        %scan3A_401 = arith.addi %scan3A_284, %scan3A_400 : i32
        %get3A_402 = arith.index_cast %scan3A_401 : i32 to index
        %get3A_403 = arith.constant 0 : index
        %get3A_404 = tpu.vector_load %arg10[%get3A_402, %get3A_403] {strides = array<i32>} : memref<200x64xf32, #tpu.memory_space<vmem>>, vector<1x16xf32>,
        %get3A_405 = vector.shape_cast %get3A_404 : vector<1x16xf32> to vector<16xf32>
        %get3A_406 = arith.index_cast %scan3A_401 : i32 to index
        %get3A_407 = arith.constant 0 : index
        %get3A_408 = tpu.vector_load %arg7[%get3A_406, %get3A_407] {strides = array<i32>} : memref<200x64xf32, #tpu.memory_space<vmem>>, vector<1x16xf32>,
        %get3A_409 = vector.shape_cast %get3A_408 : vector<1x16xf32> to vector<16xf32>
        %add3A_410 = arith.addf %get3A_405, %get3A_409 : vector<16xf32>
        %swap3A_411 = arith.index_cast %scan3A_401 : i32 to index
        %swap3A_412 = arith.constant 0 : index
        %swap3A_413 = tpu.vector_load %arg10[%swap3A_411, %swap3A_412] {strides = array<i32>} : memref<200x64xf32, #tpu.memory_space<vmem>>, vector<1x16xf32>,
        %swap3A_414 = vector.shape_cast %swap3A_413 : vector<1x16xf32> to vector<16xf32>
        %swap3A_415 = vector.shape_cast %add3A_410 : vector<16xf32> to vector<1x16xf32>
        tpu.vector_store %arg10[%swap3A_411, %swap3A_412], %swap3A_415 {strides = array<i32>} : memref<200x64xf32, #tpu.memory_space<vmem>>, vector<1x16xf32>,
        %get3A_416 = arith.index_cast %scan3A_401 : i32 to index
        %get3A_417 = arith.constant 16 : index
        %get3A_418 = tpu.vector_load %arg10[%get3A_416, %get3A_417] {strides = array<i32>} : memref<200x64xf32, #tpu.memory_space<vmem>>, vector<1x16xf32>,
        %get3A_419 = vector.shape_cast %get3A_418 : vector<1x16xf32> to vector<16xf32>
        %get3A_420 = arith.index_cast %scan3A_401 : i32 to index
        %get3A_421 = arith.constant 16 : index
        %get3A_422 = tpu.vector_load %arg7[%get3A_420, %get3A_421] {strides = array<i32>} : memref<200x64xf32, #tpu.memory_space<vmem>>, vector<1x16xf32>,
        %get3A_423 = vector.shape_cast %get3A_422 : vector<1x16xf32> to vector<16xf32>
        %add3A_424 = arith.addf %get3A_419, %get3A_423 : vector<16xf32>
        %swap3A_425 = arith.index_cast %scan3A_401 : i32 to index
        %swap3A_426 = arith.constant 16 : index
        %swap3A_427 = tpu.vector_load %arg10[%swap3A_425, %swap3A_426] {strides = array<i32>} : memref<200x64xf32, #tpu.memory_space<vmem>>, vector<1x16xf32>,
        %swap3A_428 = vector.shape_cast %swap3A_427 : vector<1x16xf32> to vector<16xf32>
        %swap3A_429 = vector.shape_cast %add3A_424 : vector<16xf32> to vector<1x16xf32>
        tpu.vector_store %arg10[%swap3A_425, %swap3A_426], %swap3A_429 {strides = array<i32>} : memref<200x64xf32, #tpu.memory_space<vmem>>, vector<1x16xf32>,
        %get3A_430 = arith.index_cast %scan3A_401 : i32 to index
        %get3A_431 = arith.constant 32 : index
        %get3A_432 = tpu.vector_load %arg10[%get3A_430, %get3A_431] {strides = array<i32>} : memref<200x64xf32, #tpu.memory_space<vmem>>, vector<1x16xf32>,
        %get3A_433 = vector.shape_cast %get3A_432 : vector<1x16xf32> to vector<16xf32>
        %get3A_434 = arith.index_cast %scan3A_401 : i32 to index
        %get3A_435 = arith.constant 32 : index
        %get3A_436 = tpu.vector_load %arg7[%get3A_434, %get3A_435] {strides = array<i32>} : memref<200x64xf32, #tpu.memory_space<vmem>>, vector<1x16xf32>,
        %get3A_437 = vector.shape_cast %get3A_436 : vector<1x16xf32> to vector<16xf32>
        %add3A_438 = arith.addf %get3A_433, %get3A_437 : vector<16xf32>
        %swap3A_439 = arith.index_cast %scan3A_401 : i32 to index
        %swap3A_440 = arith.constant 32 : index
        %swap3A_441 = tpu.vector_load %arg10[%swap3A_439, %swap3A_440] {strides = array<i32>} : memref<200x64xf32, #tpu.memory_space<vmem>>, vector<1x16xf32>,
        %swap3A_442 = vector.shape_cast %swap3A_441 : vector<1x16xf32> to vector<16xf32>
        %swap3A_443 = vector.shape_cast %add3A_438 : vector<16xf32> to vector<1x16xf32>
        tpu.vector_store %arg10[%swap3A_439, %swap3A_440], %swap3A_443 {strides = array<i32>} : memref<200x64xf32, #tpu.memory_space<vmem>>, vector<1x16xf32>,
        %get3A_444 = arith.index_cast %scan3A_401 : i32 to index
        %get3A_445 = arith.constant 48 : index
        %get3A_446 = tpu.vector_load %arg10[%get3A_444, %get3A_445] {strides = array<i32>} : memref<200x64xf32, #tpu.memory_space<vmem>>, vector<1x16xf32>,
        %get3A_447 = vector.shape_cast %get3A_446 : vector<1x16xf32> to vector<16xf32>
        %get3A_448 = arith.index_cast %scan3A_401 : i32 to index
        %get3A_449 = arith.constant 48 : index
        %get3A_450 = tpu.vector_load %arg7[%get3A_448, %get3A_449] {strides = array<i32>} : memref<200x64xf32, #tpu.memory_space<vmem>>, vector<1x16xf32>,
        %get3A_451 = vector.shape_cast %get3A_450 : vector<1x16xf32> to vector<16xf32>
        %add3A_452 = arith.addf %get3A_447, %get3A_451 : vector<16xf32>
        %swap3A_453 = arith.index_cast %scan3A_401 : i32 to index
        %swap3A_454 = arith.constant 48 : index
        %swap3A_455 = tpu.vector_load %arg10[%swap3A_453, %swap3A_454] {strides = array<i32>} : memref<200x64xf32, #tpu.memory_space<vmem>>, vector<1x16xf32>,
        %swap3A_456 = vector.shape_cast %swap3A_455 : vector<1x16xf32> to vector<16xf32>
        %swap3A_457 = vector.shape_cast %add3A_452 : vector<16xf32> to vector<1x16xf32>
        tpu.vector_store %arg10[%swap3A_453, %swap3A_454], %swap3A_457 {strides = array<i32>} : memref<200x64xf32, #tpu.memory_space<vmem>>, vector<1x16xf32>,
        %scan3A_458 = arith.constant 0 : i32
        %scan3A_459 = arith.constant 3 : i32
        %scan3A_460 = arith.addi %scan3A_284, %scan3A_459 : i32
        %get3A_461 = arith.index_cast %scan3A_460 : i32 to index
        %get3A_462 = arith.constant 0 : index
        %get3A_463 = tpu.vector_load %arg10[%get3A_461, %get3A_462] {strides = array<i32>} : memref<200x64xf32, #tpu.memory_space<vmem>>, vector<1x16xf32>,
        %get3A_464 = vector.shape_cast %get3A_463 : vector<1x16xf32> to vector<16xf32>
        %get3A_465 = arith.index_cast %scan3A_460 : i32 to index
        %get3A_466 = arith.constant 0 : index
        %get3A_467 = tpu.vector_load %arg7[%get3A_465, %get3A_466] {strides = array<i32>} : memref<200x64xf32, #tpu.memory_space<vmem>>, vector<1x16xf32>,
        %get3A_468 = vector.shape_cast %get3A_467 : vector<1x16xf32> to vector<16xf32>
        %add3A_469 = arith.addf %get3A_464, %get3A_468 : vector<16xf32>
        %swap3A_470 = arith.index_cast %scan3A_460 : i32 to index
        %swap3A_471 = arith.constant 0 : index
        %swap3A_472 = tpu.vector_load %arg10[%swap3A_470, %swap3A_471] {strides = array<i32>} : memref<200x64xf32, #tpu.memory_space<vmem>>, vector<1x16xf32>,
        %swap3A_473 = vector.shape_cast %swap3A_472 : vector<1x16xf32> to vector<16xf32>
        %swap3A_474 = vector.shape_cast %add3A_469 : vector<16xf32> to vector<1x16xf32>
        tpu.vector_store %arg10[%swap3A_470, %swap3A_471], %swap3A_474 {strides = array<i32>} : memref<200x64xf32, #tpu.memory_space<vmem>>, vector<1x16xf32>,
        %get3A_475 = arith.index_cast %scan3A_460 : i32 to index
        %get3A_476 = arith.constant 16 : index
        %get3A_477 = tpu.vector_load %arg10[%get3A_475, %get3A_476] {strides = array<i32>} : memref<200x64xf32, #tpu.memory_space<vmem>>, vector<1x16xf32>,
        %get3A_478 = vector.shape_cast %get3A_477 : vector<1x16xf32> to vector<16xf32>
        %get3A_479 = arith.index_cast %scan3A_460 : i32 to index
        %get3A_480 = arith.constant 16 : index
        %get3A_481 = tpu.vector_load %arg7[%get3A_479, %get3A_480] {strides = array<i32>} : memref<200x64xf32, #tpu.memory_space<vmem>>, vector<1x16xf32>,
        %get3A_482 = vector.shape_cast %get3A_481 : vector<1x16xf32> to vector<16xf32>
        %add3A_483 = arith.addf %get3A_478, %get3A_482 : vector<16xf32>
        %swap3A_484 = arith.index_cast %scan3A_460 : i32 to index
        %swap3A_485 = arith.constant 16 : index
        %swap3A_486 = tpu.vector_load %arg10[%swap3A_484, %swap3A_485] {strides = array<i32>} : memref<200x64xf32, #tpu.memory_space<vmem>>, vector<1x16xf32>,
        %swap3A_487 = vector.shape_cast %swap3A_486 : vector<1x16xf32> to vector<16xf32>
        %swap3A_488 = vector.shape_cast %add3A_483 : vector<16xf32> to vector<1x16xf32>
        tpu.vector_store %arg10[%swap3A_484, %swap3A_485], %swap3A_488 {strides = array<i32>} : memref<200x64xf32, #tpu.memory_space<vmem>>, vector<1x16xf32>,
        %get3A_489 = arith.index_cast %scan3A_460 : i32 to index
        %get3A_490 = arith.constant 32 : index
        %get3A_491 = tpu.vector_load %arg10[%get3A_489, %get3A_490] {strides = array<i32>} : memref<200x64xf32, #tpu.memory_space<vmem>>, vector<1x16xf32>,
        %get3A_492 = vector.shape_cast %get3A_491 : vector<1x16xf32> to vector<16xf32>
        %get3A_493 = arith.index_cast %scan3A_460 : i32 to index
        %get3A_494 = arith.constant 32 : index
        %get3A_495 = tpu.vector_load %arg7[%get3A_493, %get3A_494] {strides = array<i32>} : memref<200x64xf32, #tpu.memory_space<vmem>>, vector<1x16xf32>,
        %get3A_496 = vector.shape_cast %get3A_495 : vector<1x16xf32> to vector<16xf32>
        %add3A_497 = arith.addf %get3A_492, %get3A_496 : vector<16xf32>
        %swap3A_498 = arith.index_cast %scan3A_460 : i32 to index
        %swap3A_499 = arith.constant 32 : index
        %swap3A_500 = tpu.vector_load %arg10[%swap3A_498, %swap3A_499] {strides = array<i32>} : memref<200x64xf32, #tpu.memory_space<vmem>>, vector<1x16xf32>,
        %swap3A_501 = vector.shape_cast %swap3A_500 : vector<1x16xf32> to vector<16xf32>
        %swap3A_502 = vector.shape_cast %add3A_497 : vector<16xf32> to vector<1x16xf32>
        tpu.vector_store %arg10[%swap3A_498, %swap3A_499], %swap3A_502 {strides = array<i32>} : memref<200x64xf32, #tpu.memory_space<vmem>>, vector<1x16xf32>,
        %get3A_503 = arith.index_cast %scan3A_460 : i32 to index
        %get3A_504 = arith.constant 48 : index
        %get3A_505 = tpu.vector_load %arg10[%get3A_503, %get3A_504] {strides = array<i32>} : memref<200x64xf32, #tpu.memory_space<vmem>>, vector<1x16xf32>,
        %get3A_506 = vector.shape_cast %get3A_505 : vector<1x16xf32> to vector<16xf32>
        %get3A_507 = arith.index_cast %scan3A_460 : i32 to index
        %get3A_508 = arith.constant 48 : index
        %get3A_509 = tpu.vector_load %arg7[%get3A_507, %get3A_508] {strides = array<i32>} : memref<200x64xf32, #tpu.memory_space<vmem>>, vector<1x16xf32>,
        %get3A_510 = vector.shape_cast %get3A_509 : vector<1x16xf32> to vector<16xf32>
        %add3A_511 = arith.addf %get3A_506, %get3A_510 : vector<16xf32>
        %swap3A_512 = arith.index_cast %scan3A_460 : i32 to index
        %swap3A_513 = arith.constant 48 : index
        %swap3A_514 = tpu.vector_load %arg10[%swap3A_512, %swap3A_513] {strides = array<i32>} : memref<200x64xf32, #tpu.memory_space<vmem>>, vector<1x16xf32>,
        %swap3A_515 = vector.shape_cast %swap3A_514 : vector<1x16xf32> to vector<16xf32>
        %swap3A_516 = vector.shape_cast %add3A_511 : vector<16xf32> to vector<1x16xf32>
        tpu.vector_store %arg10[%swap3A_512, %swap3A_513], %swap3A_516 {strides = array<i32>} : memref<200x64xf32, #tpu.memory_space<vmem>>, vector<1x16xf32>,
        %scan3A_517 = arith.constant 0 : i32
        scf.yield %scan3A_517 : i32
      }
      %scan3A_222 = arith.constant 200 : i32
      %add3A_223 = arith.addi %mul3A_2, %add3A_197 : i32
      %dma_start3A_224 = arith.constant 0 : i32
      %dma_start3A_225 = arith.constant 0 : i32
      %dma_start3A_226 = tpu.memref_slice %arg5[%add3A_223, %dma_start3A_224, %dma_start3A_225] : memref<4096x200x64xf32, #tpu.memory_space<hbm>> -> memref<1x200x64xf32, #tpu.memory_space<hbm>>
      %dma_start3A_227 = tpu.memref_squeeze %dma_start3A_226 : memref<1x200x64xf32, #tpu.memory_space<hbm>> -> memref<200x64xf32, #tpu.memory_space<hbm>>
      %dma_start3A_228 = arith.constant 0 : i32
      %dma_start3A_229 = arith.constant 0 : i32
      %dma_start3A_230 = tpu.memref_slice %arg5[%add3A_223, %dma_start3A_228, %dma_start3A_229] : memref<4096x200x64xf32, #tpu.memory_space<hbm>> -> memref<1x200x64xf32, #tpu.memory_space<hbm>>
      %dma_start3A_231 = tpu.memref_squeeze %dma_start3A_230 : memref<1x200x64xf32, #tpu.memory_space<hbm>> -> memref<200x64xf32, #tpu.memory_space<hbm>>
      tpu.enqueue_dma source(%arg10 : memref<200x64xf32, #tpu.memory_space<vmem>>) target(%dma_start3A_231 : memref<200x64xf32, #tpu.memory_space<hbm>>) target_semaphore(%arg18 : memref<!tpu.dma_semaphore, #tpu.memory_space<semaphore_mem>>)
      %add3A_232 = arith.constant 3 : i32
      %add3A_233 = arith.addi %add3A_197, %add3A_232 : i32
      %lt3A_234 = arith.constant 128 : i32
      %lt3A_235 = arith.cmpi slt, %add3A_233, %lt3A_234 : i32
      %convert_element_type3A_236 = arith.extui %lt3A_235 : i1 to i32
      %cond3A_237 = arith.constant 0 : i32
      %cond3A_238 = arith.cmpi ne, %convert_element_type3A_236, %cond3A_237 : i32
      scf.if %cond3A_238 {
        %ge3A = arith.constant 4 : i32
        %ge3A_284 = arith.cmpi sge, %add3A_233, %ge3A : i32
        %convert_element_type3A_285 = arith.extui %ge3A_284 : i1 to i32
        %cond3A_286 = arith.constant 0 : i32
        %cond3A_287 = arith.cmpi ne, %convert_element_type3A_285, %cond3A_286 : i32
        scf.if %cond3A_287 {
          %sub3A = arith.constant 4 : i32
          %sub3A_306 = arith.subi %add3A_233, %sub3A : i32
          %add3A_307 = arith.addi %mul3A_2, %sub3A_306 : i32
          %dma_wait3A_308 = arith.constant 0 : i32
          %dma_wait3A_309 = arith.constant 0 : i32
          %dma_wait3A_310 = tpu.memref_slice %arg5[%add3A_307, %dma_wait3A_308, %dma_wait3A_309] : memref<4096x200x64xf32, #tpu.memory_space<hbm>> -> memref<1x200x64xf32, #tpu.memory_space<hbm>>
          %dma_wait3A_311 = tpu.memref_squeeze %dma_wait3A_310 : memref<1x200x64xf32, #tpu.memory_space<hbm>> -> memref<200x64xf32, #tpu.memory_space<hbm>>
          %dma_wait3A_312 = arith.constant 0 : i32
          %dma_wait3A_313 = arith.constant 0 : i32
          %dma_wait3A_314 = tpu.memref_slice %arg5[%add3A_307, %dma_wait3A_312, %dma_wait3A_313] : memref<4096x200x64xf32, #tpu.memory_space<hbm>> -> memref<1x200x64xf32, #tpu.memory_space<hbm>>
          %dma_wait3A_315 = tpu.memref_squeeze %dma_wait3A_314 : memref<1x200x64xf32, #tpu.memory_space<hbm>> -> memref<200x64xf32, #tpu.memory_space<hbm>>
          tpu.wait_dma2 semaphore(%arg17 : memref<!tpu.dma_semaphore, #tpu.memory_space<semaphore_mem>>) src(%arg9 : memref<200x64xf32, #tpu.memory_space<vmem>>) dst(%dma_wait3A_315 : memref<200x64xf32, #tpu.memory_space<hbm>>)
        } else {
        }
        %dma_start3A_288 = arith.constant 0 : i32
        %dma_start3A_289 = arith.constant 0 : i32
        %dma_start3A_290 = tpu.memref_slice %arg9[%dma_start3A_288, %dma_start3A_289] : memref<200x64xf32, #tpu.memory_space<vmem>> -> memref<128x64xf32, #tpu.memory_space<vmem>>
        %dma_start3A_291 = arith.constant 0 : i32
        %dma_start3A_292 = tpu.memref_slice %arg6[%add3A_233, %dma_start3A_291] : memref<128x200xi32, #tpu.memory_space<vmem>> -> memref<1x128xi32, #tpu.memory_space<vmem>>
        %dma_start3A_293 = tpu.memref_squeeze %dma_start3A_292 : memref<1x128xi32, #tpu.memory_space<vmem>> -> memref<128xi32, #tpu.memory_space<vmem>>
        %dma_start3A_294 = arith.constant 0 : i32
        %dma_start3A_295 = arith.constant 0 : i32
        %dma_start3A_296 = tpu.memref_slice %arg3[%dma_start3A_294, %dma_start3A_295] : memref<1000000x64xf32, #tpu.memory_space<hbm>> -> memref<1000000x64xf32, #tpu.memory_space<hbm>>
        tpu.enqueue_indirect_dma source(%dma_start3A_296 : memref<1000000x64xf32, #tpu.memory_space<hbm>>) target(%dma_start3A_290 : memref<128x64xf32, #tpu.memory_space<vmem>>) offsets(%dma_start3A_293 : memref<128xi32, #tpu.memory_space<vmem>>) semaphore(%arg13 : memref<!tpu.dma_semaphore, #tpu.memory_space<semaphore_mem>>)
        %dma_start3A_297 = arith.constant 128 : i32
        %dma_start3A_298 = arith.constant 0 : i32
        %dma_start3A_299 = tpu.memref_slice %arg9[%dma_start3A_297, %dma_start3A_298] : memref<200x64xf32, #tpu.memory_space<vmem>> -> memref<72x64xf32, #tpu.memory_space<vmem>>
        %dma_start3A_300 = arith.constant 128 : i32
        %dma_start3A_301 = tpu.memref_slice %arg6[%add3A_233, %dma_start3A_300] : memref<128x200xi32, #tpu.memory_space<vmem>> -> memref<1x72xi32, #tpu.memory_space<vmem>>
        %dma_start3A_302 = tpu.memref_squeeze %dma_start3A_301 : memref<1x72xi32, #tpu.memory_space<vmem>> -> memref<72xi32, #tpu.memory_space<vmem>>
        %dma_start3A_303 = arith.constant 0 : i32
        %dma_start3A_304 = arith.constant 0 : i32
        %dma_start3A_305 = tpu.memref_slice %arg3[%dma_start3A_303, %dma_start3A_304] : memref<1000000x64xf32, #tpu.memory_space<hbm>> -> memref<1000000x64xf32, #tpu.memory_space<hbm>>
        tpu.enqueue_indirect_dma source(%dma_start3A_305 : memref<1000000x64xf32, #tpu.memory_space<hbm>>) target(%dma_start3A_299 : memref<72x64xf32, #tpu.memory_space<vmem>>) offsets(%dma_start3A_302 : memref<72xi32, #tpu.memory_space<vmem>>) semaphore(%arg13 : memref<!tpu.dma_semaphore, #tpu.memory_space<semaphore_mem>>)
      } else {
      }
      %mul3A_239 = arith.constant 4 : i32
      %mul3A_240 = arith.muli %scan3A_106, %mul3A_239 : i32
      %add3A_241 = arith.constant 3 : i32
      %add3A_242 = arith.addi %mul3A_240, %add3A_241 : i32
      %dma_wait3A_243 = arith.constant 0 : i32
      %dma_wait3A_244 = arith.constant 0 : i32
      %dma_wait3A_245 = tpu.memref_slice %arg11[%dma_wait3A_243, %dma_wait3A_244] : memref<200x64xf32, #tpu.memory_space<vmem>> -> memref<128x64xf32, #tpu.memory_space<vmem>>
      %dma_wait3A_246 = arith.constant 0 : i32
      %dma_wait3A_247 = tpu.memref_slice %arg6[%add3A_242, %dma_wait3A_246] : memref<128x200xi32, #tpu.memory_space<vmem>> -> memref<1x128xi32, #tpu.memory_space<vmem>>
      %dma_wait3A_248 = tpu.memref_squeeze %dma_wait3A_247 : memref<1x128xi32, #tpu.memory_space<vmem>> -> memref<128xi32, #tpu.memory_space<vmem>>
      %dma_wait3A_249 = arith.constant 0 : i32
      %dma_wait3A_250 = arith.constant 0 : i32
      %dma_wait3A_251 = tpu.memref_slice %arg3[%dma_wait3A_249, %dma_wait3A_250] : memref<1000000x64xf32, #tpu.memory_space<hbm>> -> memref<1000000x64xf32, #tpu.memory_space<hbm>>
      tpu.wait_indirect_dma semaphore(%arg15 : memref<!tpu.dma_semaphore, #tpu.memory_space<semaphore_mem>>) src(%dma_wait3A_251 : memref<1000000x64xf32, #tpu.memory_space<hbm>>) dst(%dma_wait3A_245 : memref<128x64xf32, #tpu.memory_space<vmem>>)
      %dma_wait3A_252 = arith.constant 128 : i32
      %dma_wait3A_253 = arith.constant 0 : i32
      %dma_wait3A_254 = tpu.memref_slice %arg11[%dma_wait3A_252, %dma_wait3A_253] : memref<200x64xf32, #tpu.memory_space<vmem>> -> memref<72x64xf32, #tpu.memory_space<vmem>>
      %dma_wait3A_255 = arith.constant 128 : i32
      %dma_wait3A_256 = tpu.memref_slice %arg6[%add3A_242, %dma_wait3A_255] : memref<128x200xi32, #tpu.memory_space<vmem>> -> memref<1x72xi32, #tpu.memory_space<vmem>>
      %dma_wait3A_257 = tpu.memref_squeeze %dma_wait3A_256 : memref<1x72xi32, #tpu.memory_space<vmem>> -> memref<72xi32, #tpu.memory_space<vmem>>
      %dma_wait3A_258 = arith.constant 0 : i32
      %dma_wait3A_259 = arith.constant 0 : i32
      %dma_wait3A_260 = tpu.memref_slice %arg3[%dma_wait3A_258, %dma_wait3A_259] : memref<1000000x64xf32, #tpu.memory_space<hbm>> -> memref<1000000x64xf32, #tpu.memory_space<hbm>>
      tpu.wait_indirect_dma semaphore(%arg15 : memref<!tpu.dma_semaphore, #tpu.memory_space<semaphore_mem>>) src(%dma_wait3A_260 : memref<1000000x64xf32, #tpu.memory_space<hbm>>) dst(%dma_wait3A_254 : memref<72x64xf32, #tpu.memory_space<vmem>>)
      %scan3A_261 = arith.constant 0 : i32
      %scan3A_262 = arith.constant 0 : i32
      %scan3A_263 = arith.constant 200 : i32
      %scan3A_264 = arith.addi %scan3A_262, %scan3A_263 : i32
      %scan3A_265 = arith.constant 4 : i32
      %scan3A_266 = scf.for %scan3A_284 = %scan3A_262 to %scan3A_264 step %scan3A_265 iter_args(%scan3A_285 = %scan3A_261) -> (i32)  : i32 {
        %get3A = arith.index_cast %scan3A_284 : i32 to index
        %get3A_286 = arith.constant 0 : index
        %get3A_287 = tpu.vector_load %arg11[%get3A, %get3A_286] {strides = array<i32>} : memref<200x64xf32, #tpu.memory_space<vmem>>, vector<1x16xf32>,
        %get3A_288 = vector.shape_cast %get3A_287 : vector<1x16xf32> to vector<16xf32>
        %get3A_289 = arith.index_cast %scan3A_284 : i32 to index
        %get3A_290 = arith.constant 0 : index
        %get3A_291 = tpu.vector_load %arg7[%get3A_289, %get3A_290] {strides = array<i32>} : memref<200x64xf32, #tpu.memory_space<vmem>>, vector<1x16xf32>,
        %get3A_292 = vector.shape_cast %get3A_291 : vector<1x16xf32> to vector<16xf32>
        %add3A_293 = arith.addf %get3A_288, %get3A_292 : vector<16xf32>
        %swap3A = arith.index_cast %scan3A_284 : i32 to index
        %swap3A_294 = arith.constant 0 : index
        %swap3A_295 = tpu.vector_load %arg11[%swap3A, %swap3A_294] {strides = array<i32>} : memref<200x64xf32, #tpu.memory_space<vmem>>, vector<1x16xf32>,
        %swap3A_296 = vector.shape_cast %swap3A_295 : vector<1x16xf32> to vector<16xf32>
        %swap3A_297 = vector.shape_cast %add3A_293 : vector<16xf32> to vector<1x16xf32>
        tpu.vector_store %arg11[%swap3A, %swap3A_294], %swap3A_297 {strides = array<i32>} : memref<200x64xf32, #tpu.memory_space<vmem>>, vector<1x16xf32>,
        %get3A_298 = arith.index_cast %scan3A_284 : i32 to index
        %get3A_299 = arith.constant 16 : index
        %get3A_300 = tpu.vector_load %arg11[%get3A_298, %get3A_299] {strides = array<i32>} : memref<200x64xf32, #tpu.memory_space<vmem>>, vector<1x16xf32>,
        %get3A_301 = vector.shape_cast %get3A_300 : vector<1x16xf32> to vector<16xf32>
        %get3A_302 = arith.index_cast %scan3A_284 : i32 to index
        %get3A_303 = arith.constant 16 : index
        %get3A_304 = tpu.vector_load %arg7[%get3A_302, %get3A_303] {strides = array<i32>} : memref<200x64xf32, #tpu.memory_space<vmem>>, vector<1x16xf32>,
        %get3A_305 = vector.shape_cast %get3A_304 : vector<1x16xf32> to vector<16xf32>
        %add3A_306 = arith.addf %get3A_301, %get3A_305 : vector<16xf32>
        %swap3A_307 = arith.index_cast %scan3A_284 : i32 to index
        %swap3A_308 = arith.constant 16 : index
        %swap3A_309 = tpu.vector_load %arg11[%swap3A_307, %swap3A_308] {strides = array<i32>} : memref<200x64xf32, #tpu.memory_space<vmem>>, vector<1x16xf32>,
        %swap3A_310 = vector.shape_cast %swap3A_309 : vector<1x16xf32> to vector<16xf32>
        %swap3A_311 = vector.shape_cast %add3A_306 : vector<16xf32> to vector<1x16xf32>
        tpu.vector_store %arg11[%swap3A_307, %swap3A_308], %swap3A_311 {strides = array<i32>} : memref<200x64xf32, #tpu.memory_space<vmem>>, vector<1x16xf32>,
        %get3A_312 = arith.index_cast %scan3A_284 : i32 to index
        %get3A_313 = arith.constant 32 : index
        %get3A_314 = tpu.vector_load %arg11[%get3A_312, %get3A_313] {strides = array<i32>} : memref<200x64xf32, #tpu.memory_space<vmem>>, vector<1x16xf32>,
        %get3A_315 = vector.shape_cast %get3A_314 : vector<1x16xf32> to vector<16xf32>
        %get3A_316 = arith.index_cast %scan3A_284 : i32 to index
        %get3A_317 = arith.constant 32 : index
        %get3A_318 = tpu.vector_load %arg7[%get3A_316, %get3A_317] {strides = array<i32>} : memref<200x64xf32, #tpu.memory_space<vmem>>, vector<1x16xf32>,
        %get3A_319 = vector.shape_cast %get3A_318 : vector<1x16xf32> to vector<16xf32>
        %add3A_320 = arith.addf %get3A_315, %get3A_319 : vector<16xf32>
        %swap3A_321 = arith.index_cast %scan3A_284 : i32 to index
        %swap3A_322 = arith.constant 32 : index
        %swap3A_323 = tpu.vector_load %arg11[%swap3A_321, %swap3A_322] {strides = array<i32>} : memref<200x64xf32, #tpu.memory_space<vmem>>, vector<1x16xf32>,
        %swap3A_324 = vector.shape_cast %swap3A_323 : vector<1x16xf32> to vector<16xf32>
        %swap3A_325 = vector.shape_cast %add3A_320 : vector<16xf32> to vector<1x16xf32>
        tpu.vector_store %arg11[%swap3A_321, %swap3A_322], %swap3A_325 {strides = array<i32>} : memref<200x64xf32, #tpu.memory_space<vmem>>, vector<1x16xf32>,
        %get3A_326 = arith.index_cast %scan3A_284 : i32 to index
        %get3A_327 = arith.constant 48 : index
        %get3A_328 = tpu.vector_load %arg11[%get3A_326, %get3A_327] {strides = array<i32>} : memref<200x64xf32, #tpu.memory_space<vmem>>, vector<1x16xf32>,
        %get3A_329 = vector.shape_cast %get3A_328 : vector<1x16xf32> to vector<16xf32>
        %get3A_330 = arith.index_cast %scan3A_284 : i32 to index
        %get3A_331 = arith.constant 48 : index
        %get3A_332 = tpu.vector_load %arg7[%get3A_330, %get3A_331] {strides = array<i32>} : memref<200x64xf32, #tpu.memory_space<vmem>>, vector<1x16xf32>,
        %get3A_333 = vector.shape_cast %get3A_332 : vector<1x16xf32> to vector<16xf32>
        %add3A_334 = arith.addf %get3A_329, %get3A_333 : vector<16xf32>
        %swap3A_335 = arith.index_cast %scan3A_284 : i32 to index
        %swap3A_336 = arith.constant 48 : index
        %swap3A_337 = tpu.vector_load %arg11[%swap3A_335, %swap3A_336] {strides = array<i32>} : memref<200x64xf32, #tpu.memory_space<vmem>>, vector<1x16xf32>,
        %swap3A_338 = vector.shape_cast %swap3A_337 : vector<1x16xf32> to vector<16xf32>
        %swap3A_339 = vector.shape_cast %add3A_334 : vector<16xf32> to vector<1x16xf32>
        tpu.vector_store %arg11[%swap3A_335, %swap3A_336], %swap3A_339 {strides = array<i32>} : memref<200x64xf32, #tpu.memory_space<vmem>>, vector<1x16xf32>,
        %scan3A_340 = arith.constant 0 : i32
        %scan3A_341 = arith.constant 1 : i32
        %scan3A_342 = arith.addi %scan3A_284, %scan3A_341 : i32
        %get3A_343 = arith.index_cast %scan3A_342 : i32 to index
        %get3A_344 = arith.constant 0 : index
        %get3A_345 = tpu.vector_load %arg11[%get3A_343, %get3A_344] {strides = array<i32>} : memref<200x64xf32, #tpu.memory_space<vmem>>, vector<1x16xf32>,
        %get3A_346 = vector.shape_cast %get3A_345 : vector<1x16xf32> to vector<16xf32>
        %get3A_347 = arith.index_cast %scan3A_342 : i32 to index
        %get3A_348 = arith.constant 0 : index
        %get3A_349 = tpu.vector_load %arg7[%get3A_347, %get3A_348] {strides = array<i32>} : memref<200x64xf32, #tpu.memory_space<vmem>>, vector<1x16xf32>,
        %get3A_350 = vector.shape_cast %get3A_349 : vector<1x16xf32> to vector<16xf32>
        %add3A_351 = arith.addf %get3A_346, %get3A_350 : vector<16xf32>
        %swap3A_352 = arith.index_cast %scan3A_342 : i32 to index
        %swap3A_353 = arith.constant 0 : index
        %swap3A_354 = tpu.vector_load %arg11[%swap3A_352, %swap3A_353] {strides = array<i32>} : memref<200x64xf32, #tpu.memory_space<vmem>>, vector<1x16xf32>,
        %swap3A_355 = vector.shape_cast %swap3A_354 : vector<1x16xf32> to vector<16xf32>
        %swap3A_356 = vector.shape_cast %add3A_351 : vector<16xf32> to vector<1x16xf32>
        tpu.vector_store %arg11[%swap3A_352, %swap3A_353], %swap3A_356 {strides = array<i32>} : memref<200x64xf32, #tpu.memory_space<vmem>>, vector<1x16xf32>,
        %get3A_357 = arith.index_cast %scan3A_342 : i32 to index
        %get3A_358 = arith.constant 16 : index
        %get3A_359 = tpu.vector_load %arg11[%get3A_357, %get3A_358] {strides = array<i32>} : memref<200x64xf32, #tpu.memory_space<vmem>>, vector<1x16xf32>,
        %get3A_360 = vector.shape_cast %get3A_359 : vector<1x16xf32> to vector<16xf32>
        %get3A_361 = arith.index_cast %scan3A_342 : i32 to index
        %get3A_362 = arith.constant 16 : index
        %get3A_363 = tpu.vector_load %arg7[%get3A_361, %get3A_362] {strides = array<i32>} : memref<200x64xf32, #tpu.memory_space<vmem>>, vector<1x16xf32>,
        %get3A_364 = vector.shape_cast %get3A_363 : vector<1x16xf32> to vector<16xf32>
        %add3A_365 = arith.addf %get3A_360, %get3A_364 : vector<16xf32>
        %swap3A_366 = arith.index_cast %scan3A_342 : i32 to index
        %swap3A_367 = arith.constant 16 : index
        %swap3A_368 = tpu.vector_load %arg11[%swap3A_366, %swap3A_367] {strides = array<i32>} : memref<200x64xf32, #tpu.memory_space<vmem>>, vector<1x16xf32>,
        %swap3A_369 = vector.shape_cast %swap3A_368 : vector<1x16xf32> to vector<16xf32>
        %swap3A_370 = vector.shape_cast %add3A_365 : vector<16xf32> to vector<1x16xf32>
        tpu.vector_store %arg11[%swap3A_366, %swap3A_367], %swap3A_370 {strides = array<i32>} : memref<200x64xf32, #tpu.memory_space<vmem>>, vector<1x16xf32>,
        %get3A_371 = arith.index_cast %scan3A_342 : i32 to index
        %get3A_372 = arith.constant 32 : index
        %get3A_373 = tpu.vector_load %arg11[%get3A_371, %get3A_372] {strides = array<i32>} : memref<200x64xf32, #tpu.memory_space<vmem>>, vector<1x16xf32>,
        %get3A_374 = vector.shape_cast %get3A_373 : vector<1x16xf32> to vector<16xf32>
        %get3A_375 = arith.index_cast %scan3A_342 : i32 to index
        %get3A_376 = arith.constant 32 : index
        %get3A_377 = tpu.vector_load %arg7[%get3A_375, %get3A_376] {strides = array<i32>} : memref<200x64xf32, #tpu.memory_space<vmem>>, vector<1x16xf32>,
        %get3A_378 = vector.shape_cast %get3A_377 : vector<1x16xf32> to vector<16xf32>
        %add3A_379 = arith.addf %get3A_374, %get3A_378 : vector<16xf32>
        %swap3A_380 = arith.index_cast %scan3A_342 : i32 to index
        %swap3A_381 = arith.constant 32 : index
        %swap3A_382 = tpu.vector_load %arg11[%swap3A_380, %swap3A_381] {strides = array<i32>} : memref<200x64xf32, #tpu.memory_space<vmem>>, vector<1x16xf32>,
        %swap3A_383 = vector.shape_cast %swap3A_382 : vector<1x16xf32> to vector<16xf32>
        %swap3A_384 = vector.shape_cast %add3A_379 : vector<16xf32> to vector<1x16xf32>
        tpu.vector_store %arg11[%swap3A_380, %swap3A_381], %swap3A_384 {strides = array<i32>} : memref<200x64xf32, #tpu.memory_space<vmem>>, vector<1x16xf32>,
        %get3A_385 = arith.index_cast %scan3A_342 : i32 to index
        %get3A_386 = arith.constant 48 : index
        %get3A_387 = tpu.vector_load %arg11[%get3A_385, %get3A_386] {strides = array<i32>} : memref<200x64xf32, #tpu.memory_space<vmem>>, vector<1x16xf32>,
        %get3A_388 = vector.shape_cast %get3A_387 : vector<1x16xf32> to vector<16xf32>
        %get3A_389 = arith.index_cast %scan3A_342 : i32 to index
        %get3A_390 = arith.constant 48 : index
        %get3A_391 = tpu.vector_load %arg7[%get3A_389, %get3A_390] {strides = array<i32>} : memref<200x64xf32, #tpu.memory_space<vmem>>, vector<1x16xf32>,
        %get3A_392 = vector.shape_cast %get3A_391 : vector<1x16xf32> to vector<16xf32>
        %add3A_393 = arith.addf %get3A_388, %get3A_392 : vector<16xf32>
        %swap3A_394 = arith.index_cast %scan3A_342 : i32 to index
        %swap3A_395 = arith.constant 48 : index
        %swap3A_396 = tpu.vector_load %arg11[%swap3A_394, %swap3A_395] {strides = array<i32>} : memref<200x64xf32, #tpu.memory_space<vmem>>, vector<1x16xf32>,
        %swap3A_397 = vector.shape_cast %swap3A_396 : vector<1x16xf32> to vector<16xf32>
        %swap3A_398 = vector.shape_cast %add3A_393 : vector<16xf32> to vector<1x16xf32>
        tpu.vector_store %arg11[%swap3A_394, %swap3A_395], %swap3A_398 {strides = array<i32>} : memref<200x64xf32, #tpu.memory_space<vmem>>, vector<1x16xf32>,
        %scan3A_399 = arith.constant 0 : i32
        %scan3A_400 = arith.constant 2 : i32
        %scan3A_401 = arith.addi %scan3A_284, %scan3A_400 : i32
        %get3A_402 = arith.index_cast %scan3A_401 : i32 to index
        %get3A_403 = arith.constant 0 : index
        %get3A_404 = tpu.vector_load %arg11[%get3A_402, %get3A_403] {strides = array<i32>} : memref<200x64xf32, #tpu.memory_space<vmem>>, vector<1x16xf32>,
        %get3A_405 = vector.shape_cast %get3A_404 : vector<1x16xf32> to vector<16xf32>
        %get3A_406 = arith.index_cast %scan3A_401 : i32 to index
        %get3A_407 = arith.constant 0 : index
        %get3A_408 = tpu.vector_load %arg7[%get3A_406, %get3A_407] {strides = array<i32>} : memref<200x64xf32, #tpu.memory_space<vmem>>, vector<1x16xf32>,
        %get3A_409 = vector.shape_cast %get3A_408 : vector<1x16xf32> to vector<16xf32>
        %add3A_410 = arith.addf %get3A_405, %get3A_409 : vector<16xf32>
        %swap3A_411 = arith.index_cast %scan3A_401 : i32 to index
        %swap3A_412 = arith.constant 0 : index
        %swap3A_413 = tpu.vector_load %arg11[%swap3A_411, %swap3A_412] {strides = array<i32>} : memref<200x64xf32, #tpu.memory_space<vmem>>, vector<1x16xf32>,
        %swap3A_414 = vector.shape_cast %swap3A_413 : vector<1x16xf32> to vector<16xf32>
        %swap3A_415 = vector.shape_cast %add3A_410 : vector<16xf32> to vector<1x16xf32>
        tpu.vector_store %arg11[%swap3A_411, %swap3A_412], %swap3A_415 {strides = array<i32>} : memref<200x64xf32, #tpu.memory_space<vmem>>, vector<1x16xf32>,
        %get3A_416 = arith.index_cast %scan3A_401 : i32 to index
        %get3A_417 = arith.constant 16 : index
        %get3A_418 = tpu.vector_load %arg11[%get3A_416, %get3A_417] {strides = array<i32>} : memref<200x64xf32, #tpu.memory_space<vmem>>, vector<1x16xf32>,
        %get3A_419 = vector.shape_cast %get3A_418 : vector<1x16xf32> to vector<16xf32>
        %get3A_420 = arith.index_cast %scan3A_401 : i32 to index
        %get3A_421 = arith.constant 16 : index
        %get3A_422 = tpu.vector_load %arg7[%get3A_420, %get3A_421] {strides = array<i32>} : memref<200x64xf32, #tpu.memory_space<vmem>>, vector<1x16xf32>,
        %get3A_423 = vector.shape_cast %get3A_422 : vector<1x16xf32> to vector<16xf32>
        %add3A_424 = arith.addf %get3A_419, %get3A_423 : vector<16xf32>
        %swap3A_425 = arith.index_cast %scan3A_401 : i32 to index
        %swap3A_426 = arith.constant 16 : index
        %swap3A_427 = tpu.vector_load %arg11[%swap3A_425, %swap3A_426] {strides = array<i32>} : memref<200x64xf32, #tpu.memory_space<vmem>>, vector<1x16xf32>,
        %swap3A_428 = vector.shape_cast %swap3A_427 : vector<1x16xf32> to vector<16xf32>
        %swap3A_429 = vector.shape_cast %add3A_424 : vector<16xf32> to vector<1x16xf32>
        tpu.vector_store %arg11[%swap3A_425, %swap3A_426], %swap3A_429 {strides = array<i32>} : memref<200x64xf32, #tpu.memory_space<vmem>>, vector<1x16xf32>,
        %get3A_430 = arith.index_cast %scan3A_401 : i32 to index
        %get3A_431 = arith.constant 32 : index
        %get3A_432 = tpu.vector_load %arg11[%get3A_430, %get3A_431] {strides = array<i32>} : memref<200x64xf32, #tpu.memory_space<vmem>>, vector<1x16xf32>,
        %get3A_433 = vector.shape_cast %get3A_432 : vector<1x16xf32> to vector<16xf32>
        %get3A_434 = arith.index_cast %scan3A_401 : i32 to index
        %get3A_435 = arith.constant 32 : index
        %get3A_436 = tpu.vector_load %arg7[%get3A_434, %get3A_435] {strides = array<i32>} : memref<200x64xf32, #tpu.memory_space<vmem>>, vector<1x16xf32>,
        %get3A_437 = vector.shape_cast %get3A_436 : vector<1x16xf32> to vector<16xf32>
        %add3A_438 = arith.addf %get3A_433, %get3A_437 : vector<16xf32>
        %swap3A_439 = arith.index_cast %scan3A_401 : i32 to index
        %swap3A_440 = arith.constant 32 : index
        %swap3A_441 = tpu.vector_load %arg11[%swap3A_439, %swap3A_440] {strides = array<i32>} : memref<200x64xf32, #tpu.memory_space<vmem>>, vector<1x16xf32>,
        %swap3A_442 = vector.shape_cast %swap3A_441 : vector<1x16xf32> to vector<16xf32>
        %swap3A_443 = vector.shape_cast %add3A_438 : vector<16xf32> to vector<1x16xf32>
        tpu.vector_store %arg11[%swap3A_439, %swap3A_440], %swap3A_443 {strides = array<i32>} : memref<200x64xf32, #tpu.memory_space<vmem>>, vector<1x16xf32>,
        %get3A_444 = arith.index_cast %scan3A_401 : i32 to index
        %get3A_445 = arith.constant 48 : index
        %get3A_446 = tpu.vector_load %arg11[%get3A_444, %get3A_445] {strides = array<i32>} : memref<200x64xf32, #tpu.memory_space<vmem>>, vector<1x16xf32>,
        %get3A_447 = vector.shape_cast %get3A_446 : vector<1x16xf32> to vector<16xf32>
        %get3A_448 = arith.index_cast %scan3A_401 : i32 to index
        %get3A_449 = arith.constant 48 : index
        %get3A_450 = tpu.vector_load %arg7[%get3A_448, %get3A_449] {strides = array<i32>} : memref<200x64xf32, #tpu.memory_space<vmem>>, vector<1x16xf32>,
        %get3A_451 = vector.shape_cast %get3A_450 : vector<1x16xf32> to vector<16xf32>
        %add3A_452 = arith.addf %get3A_447, %get3A_451 : vector<16xf32>
        %swap3A_453 = arith.index_cast %scan3A_401 : i32 to index
        %swap3A_454 = arith.constant 48 : index
        %swap3A_455 = tpu.vector_load %arg11[%swap3A_453, %swap3A_454] {strides = array<i32>} : memref<200x64xf32, #tpu.memory_space<vmem>>, vector<1x16xf32>,
        %swap3A_456 = vector.shape_cast %swap3A_455 : vector<1x16xf32> to vector<16xf32>
        %swap3A_457 = vector.shape_cast %add3A_452 : vector<16xf32> to vector<1x16xf32>
        tpu.vector_store %arg11[%swap3A_453, %swap3A_454], %swap3A_457 {strides = array<i32>} : memref<200x64xf32, #tpu.memory_space<vmem>>, vector<1x16xf32>,
        %scan3A_458 = arith.constant 0 : i32
        %scan3A_459 = arith.constant 3 : i32
        %scan3A_460 = arith.addi %scan3A_284, %scan3A_459 : i32
        %get3A_461 = arith.index_cast %scan3A_460 : i32 to index
        %get3A_462 = arith.constant 0 : index
        %get3A_463 = tpu.vector_load %arg11[%get3A_461, %get3A_462] {strides = array<i32>} : memref<200x64xf32, #tpu.memory_space<vmem>>, vector<1x16xf32>,
        %get3A_464 = vector.shape_cast %get3A_463 : vector<1x16xf32> to vector<16xf32>
        %get3A_465 = arith.index_cast %scan3A_460 : i32 to index
        %get3A_466 = arith.constant 0 : index
        %get3A_467 = tpu.vector_load %arg7[%get3A_465, %get3A_466] {strides = array<i32>} : memref<200x64xf32, #tpu.memory_space<vmem>>, vector<1x16xf32>,
        %get3A_468 = vector.shape_cast %get3A_467 : vector<1x16xf32> to vector<16xf32>
        %add3A_469 = arith.addf %get3A_464, %get3A_468 : vector<16xf32>
        %swap3A_470 = arith.index_cast %scan3A_460 : i32 to index
        %swap3A_471 = arith.constant 0 : index
        %swap3A_472 = tpu.vector_load %arg11[%swap3A_470, %swap3A_471] {strides = array<i32>} : memref<200x64xf32, #tpu.memory_space<vmem>>, vector<1x16xf32>,
        %swap3A_473 = vector.shape_cast %swap3A_472 : vector<1x16xf32> to vector<16xf32>
        %swap3A_474 = vector.shape_cast %add3A_469 : vector<16xf32> to vector<1x16xf32>
        tpu.vector_store %arg11[%swap3A_470, %swap3A_471], %swap3A_474 {strides = array<i32>} : memref<200x64xf32, #tpu.memory_space<vmem>>, vector<1x16xf32>,
        %get3A_475 = arith.index_cast %scan3A_460 : i32 to index
        %get3A_476 = arith.constant 16 : index
        %get3A_477 = tpu.vector_load %arg11[%get3A_475, %get3A_476] {strides = array<i32>} : memref<200x64xf32, #tpu.memory_space<vmem>>, vector<1x16xf32>,
        %get3A_478 = vector.shape_cast %get3A_477 : vector<1x16xf32> to vector<16xf32>
        %get3A_479 = arith.index_cast %scan3A_460 : i32 to index
        %get3A_480 = arith.constant 16 : index
        %get3A_481 = tpu.vector_load %arg7[%get3A_479, %get3A_480] {strides = array<i32>} : memref<200x64xf32, #tpu.memory_space<vmem>>, vector<1x16xf32>,
        %get3A_482 = vector.shape_cast %get3A_481 : vector<1x16xf32> to vector<16xf32>
        %add3A_483 = arith.addf %get3A_478, %get3A_482 : vector<16xf32>
        %swap3A_484 = arith.index_cast %scan3A_460 : i32 to index
        %swap3A_485 = arith.constant 16 : index
        %swap3A_486 = tpu.vector_load %arg11[%swap3A_484, %swap3A_485] {strides = array<i32>} : memref<200x64xf32, #tpu.memory_space<vmem>>, vector<1x16xf32>,
        %swap3A_487 = vector.shape_cast %swap3A_486 : vector<1x16xf32> to vector<16xf32>
        %swap3A_488 = vector.shape_cast %add3A_483 : vector<16xf32> to vector<1x16xf32>
        tpu.vector_store %arg11[%swap3A_484, %swap3A_485], %swap3A_488 {strides = array<i32>} : memref<200x64xf32, #tpu.memory_space<vmem>>, vector<1x16xf32>,
        %get3A_489 = arith.index_cast %scan3A_460 : i32 to index
        %get3A_490 = arith.constant 32 : index
        %get3A_491 = tpu.vector_load %arg11[%get3A_489, %get3A_490] {strides = array<i32>} : memref<200x64xf32, #tpu.memory_space<vmem>>, vector<1x16xf32>,
        %get3A_492 = vector.shape_cast %get3A_491 : vector<1x16xf32> to vector<16xf32>
        %get3A_493 = arith.index_cast %scan3A_460 : i32 to index
        %get3A_494 = arith.constant 32 : index
        %get3A_495 = tpu.vector_load %arg7[%get3A_493, %get3A_494] {strides = array<i32>} : memref<200x64xf32, #tpu.memory_space<vmem>>, vector<1x16xf32>,
        %get3A_496 = vector.shape_cast %get3A_495 : vector<1x16xf32> to vector<16xf32>
        %add3A_497 = arith.addf %get3A_492, %get3A_496 : vector<16xf32>
        %swap3A_498 = arith.index_cast %scan3A_460 : i32 to index
        %swap3A_499 = arith.constant 32 : index
        %swap3A_500 = tpu.vector_load %arg11[%swap3A_498, %swap3A_499] {strides = array<i32>} : memref<200x64xf32, #tpu.memory_space<vmem>>, vector<1x16xf32>,
        %swap3A_501 = vector.shape_cast %swap3A_500 : vector<1x16xf32> to vector<16xf32>
        %swap3A_502 = vector.shape_cast %add3A_497 : vector<16xf32> to vector<1x16xf32>
        tpu.vector_store %arg11[%swap3A_498, %swap3A_499], %swap3A_502 {strides = array<i32>} : memref<200x64xf32, #tpu.memory_space<vmem>>, vector<1x16xf32>,
        %get3A_503 = arith.index_cast %scan3A_460 : i32 to index
        %get3A_504 = arith.constant 48 : index
        %get3A_505 = tpu.vector_load %arg11[%get3A_503, %get3A_504] {strides = array<i32>} : memref<200x64xf32, #tpu.memory_space<vmem>>, vector<1x16xf32>,
        %get3A_506 = vector.shape_cast %get3A_505 : vector<1x16xf32> to vector<16xf32>
        %get3A_507 = arith.index_cast %scan3A_460 : i32 to index
        %get3A_508 = arith.constant 48 : index
        %get3A_509 = tpu.vector_load %arg7[%get3A_507, %get3A_508] {strides = array<i32>} : memref<200x64xf32, #tpu.memory_space<vmem>>, vector<1x16xf32>,
        %get3A_510 = vector.shape_cast %get3A_509 : vector<1x16xf32> to vector<16xf32>
        %add3A_511 = arith.addf %get3A_506, %get3A_510 : vector<16xf32>
        %swap3A_512 = arith.index_cast %scan3A_460 : i32 to index
        %swap3A_513 = arith.constant 48 : index
        %swap3A_514 = tpu.vector_load %arg11[%swap3A_512, %swap3A_513] {strides = array<i32>} : memref<200x64xf32, #tpu.memory_space<vmem>>, vector<1x16xf32>,
        %swap3A_515 = vector.shape_cast %swap3A_514 : vector<1x16xf32> to vector<16xf32>
        %swap3A_516 = vector.shape_cast %add3A_511 : vector<16xf32> to vector<1x16xf32>
        tpu.vector_store %arg11[%swap3A_512, %swap3A_513], %swap3A_516 {strides = array<i32>} : memref<200x64xf32, #tpu.memory_space<vmem>>, vector<1x16xf32>,
        %scan3A_517 = arith.constant 0 : i32
        scf.yield %scan3A_517 : i32
      }
      %scan3A_267 = arith.constant 200 : i32
      %add3A_268 = arith.addi %mul3A_2, %add3A_242 : i32
      %dma_start3A_269 = arith.constant 0 : i32
      %dma_start3A_270 = arith.constant 0 : i32
      %dma_start3A_271 = tpu.memref_slice %arg5[%add3A_268, %dma_start3A_269, %dma_start3A_270] : memref<4096x200x64xf32, #tpu.memory_space<hbm>> -> memref<1x200x64xf32, #tpu.memory_space<hbm>>
      %dma_start3A_272 = tpu.memref_squeeze %dma_start3A_271 : memref<1x200x64xf32, #tpu.memory_space<hbm>> -> memref<200x64xf32, #tpu.memory_space<hbm>>
      %dma_start3A_273 = arith.constant 0 : i32
      %dma_start3A_274 = arith.constant 0 : i32
      %dma_start3A_275 = tpu.memref_slice %arg5[%add3A_268, %dma_start3A_273, %dma_start3A_274] : memref<4096x200x64xf32, #tpu.memory_space<hbm>> -> memref<1x200x64xf32, #tpu.memory_space<hbm>>
      %dma_start3A_276 = tpu.memref_squeeze %dma_start3A_275 : memref<1x200x64xf32, #tpu.memory_space<hbm>> -> memref<200x64xf32, #tpu.memory_space<hbm>>
      tpu.enqueue_dma source(%arg11 : memref<200x64xf32, #tpu.memory_space<vmem>>) target(%dma_start3A_276 : memref<200x64xf32, #tpu.memory_space<hbm>>) target_semaphore(%arg19 : memref<!tpu.dma_semaphore, #tpu.memory_space<semaphore_mem>>)
      %add3A_277 = arith.constant 3 : i32
      %add3A_278 = arith.addi %add3A_242, %add3A_277 : i32
      %lt3A_279 = arith.constant 128 : i32
      %lt3A_280 = arith.cmpi slt, %add3A_278, %lt3A_279 : i32
      %convert_element_type3A_281 = arith.extui %lt3A_280 : i1 to i32
      %cond3A_282 = arith.constant 0 : i32
      %cond3A_283 = arith.cmpi ne, %convert_element_type3A_281, %cond3A_282 : i32
      scf.if %cond3A_283 {
        %ge3A = arith.constant 4 : i32
        %ge3A_284 = arith.cmpi sge, %add3A_278, %ge3A : i32
        %convert_element_type3A_285 = arith.extui %ge3A_284 : i1 to i32
        %cond3A_286 = arith.constant 0 : i32
        %cond3A_287 = arith.cmpi ne, %convert_element_type3A_285, %cond3A_286 : i32
        scf.if %cond3A_287 {
          %sub3A = arith.constant 4 : i32
          %sub3A_306 = arith.subi %add3A_278, %sub3A : i32
          %add3A_307 = arith.addi %mul3A_2, %sub3A_306 : i32
          %dma_wait3A_308 = arith.constant 0 : i32
          %dma_wait3A_309 = arith.constant 0 : i32
          %dma_wait3A_310 = tpu.memref_slice %arg5[%add3A_307, %dma_wait3A_308, %dma_wait3A_309] : memref<4096x200x64xf32, #tpu.memory_space<hbm>> -> memref<1x200x64xf32, #tpu.memory_space<hbm>>
          %dma_wait3A_311 = tpu.memref_squeeze %dma_wait3A_310 : memref<1x200x64xf32, #tpu.memory_space<hbm>> -> memref<200x64xf32, #tpu.memory_space<hbm>>
          %dma_wait3A_312 = arith.constant 0 : i32
          %dma_wait3A_313 = arith.constant 0 : i32
          %dma_wait3A_314 = tpu.memref_slice %arg5[%add3A_307, %dma_wait3A_312, %dma_wait3A_313] : memref<4096x200x64xf32, #tpu.memory_space<hbm>> -> memref<1x200x64xf32, #tpu.memory_space<hbm>>
          %dma_wait3A_315 = tpu.memref_squeeze %dma_wait3A_314 : memref<1x200x64xf32, #tpu.memory_space<hbm>> -> memref<200x64xf32, #tpu.memory_space<hbm>>
          tpu.wait_dma2 semaphore(%arg18 : memref<!tpu.dma_semaphore, #tpu.memory_space<semaphore_mem>>) src(%arg10 : memref<200x64xf32, #tpu.memory_space<vmem>>) dst(%dma_wait3A_315 : memref<200x64xf32, #tpu.memory_space<hbm>>)
        } else {
        }
        %dma_start3A_288 = arith.constant 0 : i32
        %dma_start3A_289 = arith.constant 0 : i32
        %dma_start3A_290 = tpu.memref_slice %arg10[%dma_start3A_288, %dma_start3A_289] : memref<200x64xf32, #tpu.memory_space<vmem>> -> memref<128x64xf32, #tpu.memory_space<vmem>>
        %dma_start3A_291 = arith.constant 0 : i32
        %dma_start3A_292 = tpu.memref_slice %arg6[%add3A_278, %dma_start3A_291] : memref<128x200xi32, #tpu.memory_space<vmem>> -> memref<1x128xi32, #tpu.memory_space<vmem>>
        %dma_start3A_293 = tpu.memref_squeeze %dma_start3A_292 : memref<1x128xi32, #tpu.memory_space<vmem>> -> memref<128xi32, #tpu.memory_space<vmem>>
        %dma_start3A_294 = arith.constant 0 : i32
        %dma_start3A_295 = arith.constant 0 : i32
        %dma_start3A_296 = tpu.memref_slice %arg3[%dma_start3A_294, %dma_start3A_295] : memref<1000000x64xf32, #tpu.memory_space<hbm>> -> memref<1000000x64xf32, #tpu.memory_space<hbm>>
        tpu.enqueue_indirect_dma source(%dma_start3A_296 : memref<1000000x64xf32, #tpu.memory_space<hbm>>) target(%dma_start3A_290 : memref<128x64xf32, #tpu.memory_space<vmem>>) offsets(%dma_start3A_293 : memref<128xi32, #tpu.memory_space<vmem>>) semaphore(%arg14 : memref<!tpu.dma_semaphore, #tpu.memory_space<semaphore_mem>>)
        %dma_start3A_297 = arith.constant 128 : i32
        %dma_start3A_298 = arith.constant 0 : i32
        %dma_start3A_299 = tpu.memref_slice %arg10[%dma_start3A_297, %dma_start3A_298] : memref<200x64xf32, #tpu.memory_space<vmem>> -> memref<72x64xf32, #tpu.memory_space<vmem>>
        %dma_start3A_300 = arith.constant 128 : i32
        %dma_start3A_301 = tpu.memref_slice %arg6[%add3A_278, %dma_start3A_300] : memref<128x200xi32, #tpu.memory_space<vmem>> -> memref<1x72xi32, #tpu.memory_space<vmem>>
        %dma_start3A_302 = tpu.memref_squeeze %dma_start3A_301 : memref<1x72xi32, #tpu.memory_space<vmem>> -> memref<72xi32, #tpu.memory_space<vmem>>
        %dma_start3A_303 = arith.constant 0 : i32
        %dma_start3A_304 = arith.constant 0 : i32
        %dma_start3A_305 = tpu.memref_slice %arg3[%dma_start3A_303, %dma_start3A_304] : memref<1000000x64xf32, #tpu.memory_space<hbm>> -> memref<1000000x64xf32, #tpu.memory_space<hbm>>
        tpu.enqueue_indirect_dma source(%dma_start3A_305 : memref<1000000x64xf32, #tpu.memory_space<hbm>>) target(%dma_start3A_299 : memref<72x64xf32, #tpu.memory_space<vmem>>) offsets(%dma_start3A_302 : memref<72xi32, #tpu.memory_space<vmem>>) semaphore(%arg14 : memref<!tpu.dma_semaphore, #tpu.memory_space<semaphore_mem>>)
      } else {
      }
    }
    %scan3A_66 = arith.constant 32 : i32
    %add3A_67 = arith.constant 124 : i32
    %add3A_68 = arith.addi %mul3A_2, %add3A_67 : i32
    %dma_wait3A = arith.constant 0 : i32
    %dma_wait3A_69 = arith.constant 0 : i32
    %dma_wait3A_70 = tpu.memref_slice %arg5[%add3A_68, %dma_wait3A, %dma_wait3A_69] : memref<4096x200x64xf32, #tpu.memory_space<hbm>> -> memref<1x200x64xf32, #tpu.memory_space<hbm>>
    %dma_wait3A_71 = tpu.memref_squeeze %dma_wait3A_70 : memref<1x200x64xf32, #tpu.memory_space<hbm>> -> memref<200x64xf32, #tpu.memory_space<hbm>>
    %dma_wait3A_72 = arith.constant 0 : i32
    %dma_wait3A_73 = arith.constant 0 : i32
    %dma_wait3A_74 = tpu.memref_slice %arg5[%add3A_68, %dma_wait3A_72, %dma_wait3A_73] : memref<4096x200x64xf32, #tpu.memory_space<hbm>> -> memref<1x200x64xf32, #tpu.memory_space<hbm>>
    %dma_wait3A_75 = tpu.memref_squeeze %dma_wait3A_74 : memref<1x200x64xf32, #tpu.memory_space<hbm>> -> memref<200x64xf32, #tpu.memory_space<hbm>>
    tpu.wait_dma2 semaphore(%arg16 : memref<!tpu.dma_semaphore, #tpu.memory_space<semaphore_mem>>) src(%arg8 : memref<200x64xf32, #tpu.memory_space<vmem>>) dst(%dma_wait3A_75 : memref<200x64xf32, #tpu.memory_space<hbm>>)
    %add3A_76 = arith.constant 125 : i32
    %add3A_77 = arith.addi %mul3A_2, %add3A_76 : i32
    %dma_wait3A_78 = arith.constant 0 : i32
    %dma_wait3A_79 = arith.constant 0 : i32
    %dma_wait3A_80 = tpu.memref_slice %arg5[%add3A_77, %dma_wait3A_78, %dma_wait3A_79] : memref<4096x200x64xf32, #tpu.memory_space<hbm>> -> memref<1x200x64xf32, #tpu.memory_space<hbm>>
    %dma_wait3A_81 = tpu.memref_squeeze %dma_wait3A_80 : memref<1x200x64xf32, #tpu.memory_space<hbm>> -> memref<200x64xf32, #tpu.memory_space<hbm>>
    %dma_wait3A_82 = arith.constant 0 : i32
    %dma_wait3A_83 = arith.constant 0 : i32
    %dma_wait3A_84 = tpu.memref_slice %arg5[%add3A_77, %dma_wait3A_82, %dma_wait3A_83] : memref<4096x200x64xf32, #tpu.memory_space<hbm>> -> memref<1x200x64xf32, #tpu.memory_space<hbm>>
    %dma_wait3A_85 = tpu.memref_squeeze %dma_wait3A_84 : memref<1x200x64xf32, #tpu.memory_space<hbm>> -> memref<200x64xf32, #tpu.memory_space<hbm>>
    tpu.wait_dma2 semaphore(%arg17 : memref<!tpu.dma_semaphore, #tpu.memory_space<semaphore_mem>>) src(%arg9 : memref<200x64xf32, #tpu.memory_space<vmem>>) dst(%dma_wait3A_85 : memref<200x64xf32, #tpu.memory_space<hbm>>)
    %add3A_86 = arith.constant 126 : i32
    %add3A_87 = arith.addi %mul3A_2, %add3A_86 : i32
    %dma_wait3A_88 = arith.constant 0 : i32
    %dma_wait3A_89 = arith.constant 0 : i32
    %dma_wait3A_90 = tpu.memref_slice %arg5[%add3A_87, %dma_wait3A_88, %dma_wait3A_89] : memref<4096x200x64xf32, #tpu.memory_space<hbm>> -> memref<1x200x64xf32, #tpu.memory_space<hbm>>
    %dma_wait3A_91 = tpu.memref_squeeze %dma_wait3A_90 : memref<1x200x64xf32, #tpu.memory_space<hbm>> -> memref<200x64xf32, #tpu.memory_space<hbm>>
    %dma_wait3A_92 = arith.constant 0 : i32
    %dma_wait3A_93 = arith.constant 0 : i32
    %dma_wait3A_94 = tpu.memref_slice %arg5[%add3A_87, %dma_wait3A_92, %dma_wait3A_93] : memref<4096x200x64xf32, #tpu.memory_space<hbm>> -> memref<1x200x64xf32, #tpu.memory_space<hbm>>
    %dma_wait3A_95 = tpu.memref_squeeze %dma_wait3A_94 : memref<1x200x64xf32, #tpu.memory_space<hbm>> -> memref<200x64xf32, #tpu.memory_space<hbm>>
    tpu.wait_dma2 semaphore(%arg18 : memref<!tpu.dma_semaphore, #tpu.memory_space<semaphore_mem>>) src(%arg10 : memref<200x64xf32, #tpu.memory_space<vmem>>) dst(%dma_wait3A_95 : memref<200x64xf32, #tpu.memory_space<hbm>>)
    %add3A_96 = arith.constant 127 : i32
    %add3A_97 = arith.addi %mul3A_2, %add3A_96 : i32
    %dma_wait3A_98 = arith.constant 0 : i32
    %dma_wait3A_99 = arith.constant 0 : i32
    %dma_wait3A_100 = tpu.memref_slice %arg5[%add3A_97, %dma_wait3A_98, %dma_wait3A_99] : memref<4096x200x64xf32, #tpu.memory_space<hbm>> -> memref<1x200x64xf32, #tpu.memory_space<hbm>>
    %dma_wait3A_101 = tpu.memref_squeeze %dma_wait3A_100 : memref<1x200x64xf32, #tpu.memory_space<hbm>> -> memref<200x64xf32, #tpu.memory_space<hbm>>
    %dma_wait3A_102 = arith.constant 0 : i32
    %dma_wait3A_103 = arith.constant 0 : i32
    %dma_wait3A_104 = tpu.memref_slice %arg5[%add3A_97, %dma_wait3A_102, %dma_wait3A_103] : memref<4096x200x64xf32, #tpu.memory_space<hbm>> -> memref<1x200x64xf32, #tpu.memory_space<hbm>>
    %dma_wait3A_105 = tpu.memref_squeeze %dma_wait3A_104 : memref<1x200x64xf32, #tpu.memory_space<hbm>> -> memref<200x64xf32, #tpu.memory_space<hbm>>
    tpu.wait_dma2 semaphore(%arg19 : memref<!tpu.dma_semaphore, #tpu.memory_space<semaphore_mem>>) src(%arg11 : memref<200x64xf32, #tpu.memory_space<vmem>>) dst(%dma_wait3A_105 : memref<200x64xf32, #tpu.memory_space<hbm>>)
    return
  }
}

</mosaic_0001>

<sc_bundles>
// kernel: kernel.3.cloned.1.call-start
scs
__scs_entry_jumppad:
0x0: {  	(pc) =	sbr.rel $0x88, $3  }
0x1: {  	(tag) =	ssettag $0x0;
	lr =	simm.s32 $0x1  }
0x2: {  	[smem:$0x3F9F] =	sst lr;
	_ =	strace $0xD0000000  }
0x3: {  	_ = 	snop  }
0x4: {  	_ = 	snop  }
0x5: {  	_ = 	snop  }
0x6: {  	_ = 	snop  }
0x7: {  	_ = 	snop  }
__scs_overlays_trampoline_lowered:
0x8: {  	[smem:$0x3FAE] =	sst s0  }
0x9: {  	[smem:$0x3FAF] =	sst s1  }
0xa: {  	[smem:$0x3FB0] =	sst s2  }
0xb: {  	[smem:$0x3FB1] =	sst s3  }
0xc: {  	[smem:$0x3FB2] =	sst s4  }
0xd: {  	[smem:$0x3FB3] =	sst s5  }
0xe: {  	[smem:$0x3FB4] =	sst s6  }
0xf: {  	[smem:$0x3FB5] =	sst s7  }
0x10: {  	[smem:$0x3FB6] =	sst s8  }
0x11: {  	[smem:$0x3FB7] =	sst s9;
	s0 =	simm.s32 @!p0 $0x0  }
0x12: {  	s1 =	sld [smem:$0x3F9D];
	s0 =	simm.s32 @p0 $0x1  }
0x13: {  	[smem:$0x3FB8] =	sst s0;
	s0 =	simm.s32 @!p1 $0x0  }
0x14: {  	s2 =	sld [smem:$0x3F9C];
	s0 =	simm.s32 @p1 $0x1  }
0x15: {  	[smem:$0x3FB9] =	sst s0;
	s0 =	simm.s32 @!p2 $0x0  }
0x16: {  	s3 =	sld [smem:$0x3FDB];
	s0 =	simm.s32 @p2 $0x1  }
0x17: {  	s4 =	simm.s32 $0x1BF5;
	[smem:$0x3FBB] =	sst s0  }
0x18: {  	s0 =	sld [smem:$0x3F9E];
	_ =	swait.ge [sflag:s4], $0x0  }
0x19: {  	s7 =	sld [smem:$0x3F9F]  }
0x1a: {  	s8 =	sadd.s32 $0xFFFFE003, lr  }
0x1b: {  	s9 =	sadd.s32 $0xFFFFFEF7, lr;
	s5 =	simm.s32 $0xFFFFFFFF;
	p2 =	slt.u32 s8, $0xFFFFF086  }
0x1c: {  	p1 =	slt.u32 s9, $0xF7A;
	s5 =	simm.s32 @!p2 $0x0  }
0x1d: {  	s5 =	simm.s32 @p1 $0x1;
	p0 =	seq.s32 s7, s2  }
0x1e: {  	s7 =	smul.u32 @!p0 $0xF7A, s2;
	p2 =	seq.s32 @!p0 s5, $0x0  }
0x1f: {  	s9 =	smul.u32 $0xF7A, s1;
	s8 =	simm.s32 @!p0 $0x1BF5;
	p2 =	por !p2, p0  }
0x20: {  	[sflag:s8] =	ssyncset.s32 @!p0 $0xFFFFF086;
	s6 =	sadd.s32 @!p0 s3, s7;
	s7 =	simm.s32 @!p0 $0x108  }
0x21: {  	s3 =	sadd.s32 s3, s9;
	s6 =	sadd.s32 @!p0 $0x88, s6;
	s7 =	simm.s32 @p2 $0x1082  }
0x22: {  	[simem:s7], [sflag:s8] =	dma.local @!p0 [hbm:s6], $0xF7A  }
0x23: {  	s9 =	sor.u32 $0xD0000000, s2;
	s6 =	simm.s32 $0x108;
	_ =	swait.ge @!p0 [sflag:s8], $0x0  }
0x24: {  	s3 =	sadd.s32 $0x88, s3;
	s6 =	simm.s32 @!p1 $0x1082;
	[sflag:s4] =	ssyncset.s32 $0xFFFFF086  }
0x25: {  	[simem:s6], [sflag:s4] =	dma.local [hbm:s3], $0xF7A  }
0x26: {  	[smem:$0x3F9F] =	sst s1;
	(tag) =	ssettag s2;
	_ =	strace s9  }
0x27: {  	s1 =	sld [smem:$0x3FAF]  }
0x28: {  	s2 =	sld [smem:$0x3FB0]  }
0x29: {  	s4 =	sld [smem:$0x3FB2]  }
0x2a: {  	p0 =	seq.s32 s5, $0x0;
	s5 =	sld [smem:$0x3FB3]  }
0x2b: {  	s6 =	sld [smem:$0x3FB4]  }
0x2c: {  	s7 =	sld [smem:$0x3FB5]  }
0x2d: {  	s3 =	simm.s32 $0x108;
	s8 =	sld [smem:$0x3FB6]  }
0x2e: {  	s3 =	simm.s32 @!p0 $0x1082;
	s9 =	sld [smem:$0x3FB7]  }
0x2f: {  	lr =	sadd.s32 s0, s3;
	s0 =	sld [smem:$0x3FAE]  }
0x30: {  	s3 =	sld [smem:$0x3FB1]  }
0x31: {  	[smem:$0x3FBA] =	sst s10  }
0x32: {  	s10 =	sld [smem:$0x3FB8];
	_ =	sdelay $0x3  }
0x33: {  	p0 =	seq.s32 s10, $0x1;
	s10 =	sld [smem:$0x3FBA];
	_ =	sdelay $0x3  }
0x34: {  	[smem:$0x3FBA] =	sst s10  }
0x35: {  	s10 =	sld [smem:$0x3FB9];
	_ =	sdelay $0x3  }
0x36: {  	p1 =	seq.s32 s10, $0x1;
	s10 =	sld [smem:$0x3FBA];
	_ =	sdelay $0x3  }
0x37: {  	[smem:$0x3FBA] =	sst s10  }
0x38: {  	s10 =	sld [smem:$0x3FBB]  }
0x39: {  	_ = 	snop;
	(pc) =	sbr.ind lr, $3  }
0x3a: {  	_ = 	snop  }
0x3b: {  	_ = 	snop  }
0x3c: {  	p2 =	seq.s32 s10, $0x1;
	s10 =	sld [smem:$0x3FBA]  }
0x3d: {  	_ =	shalt  }
0x3e: {  	_ =	shalt  }
0x3f: {  	_ =	shalt  }
0x40: {  	_ =	shalt  }
0x41: {  	_ =	shalt  }
0x42: {  	_ =	shalt  }
0x43: {  	_ =	shalt  }
0x44: {  	_ =	shalt  }
0x45: {  	_ =	shalt  }
0x46: {  	_ =	shalt  }
0x47: {  	_ =	shalt  }
0x48: {  	_ =	shalt  }
0x49: {  	_ =	shalt  }
0x4a: {  	_ =	shalt  }
0x4b: {  	_ =	shalt  }
0x4c: {  	_ =	shalt  }
0x4d: {  	_ =	shalt  }
0x4e: {  	_ =	shalt  }
0x4f: {  	_ =	shalt  }
0x50: {  	_ =	shalt  }
0x51: {  	_ =	shalt  }
0x52: {  	_ =	shalt  }
0x53: {  	_ =	shalt  }
0x54: {  	_ =	shalt  }
0x55: {  	_ =	shalt  }
0x56: {  	_ =	shalt  }
0x57: {  	_ =	shalt  }
0x58: {  	_ =	shalt  }
0x59: {  	_ =	shalt  }
0x5a: {  	_ =	shalt  }
0x5b: {  	_ =	shalt  }
0x5c: {  	_ =	shalt  }
0x5d: {  	_ =	shalt  }
0x5e: {  	_ =	shalt  }
0x5f: {  	_ =	shalt  }
0x60: {  	_ =	shalt  }
0x61: {  	_ =	shalt  }
0x62: {  	_ =	shalt  }
0x63: {  	_ =	shalt  }
0x64: {  	_ =	shalt  }
0x65: {  	_ =	shalt  }
0x66: {  	_ =	shalt  }
0x67: {  	_ =	shalt  }
0x68: {  	_ =	shalt  }
0x69: {  	_ =	shalt  }
0x6a: {  	_ =	shalt  }
0x6b: {  	_ =	shalt  }
0x6c: {  	_ =	shalt  }
0x6d: {  	_ =	shalt  }
0x6e: {  	_ =	shalt  }
0x6f: {  	_ =	shalt  }
0x70: {  	_ =	shalt  }
0x71: {  	_ =	shalt  }
0x72: {  	_ =	shalt  }
0x73: {  	_ =	shalt  }
0x74: {  	_ =	shalt  }
0x75: {  	_ =	shalt  }
0x76: {  	_ =	shalt  }
0x77: {  	_ =	shalt  }
0x78: {  	_ =	shalt  }
0x79: {  	_ =	shalt  }
0x7a: {  	_ =	shalt  }
0x7b: {  	_ =	shalt  }
0x7c: {  	_ =	shalt  }
0x7d: {  	_ =	shalt  }
0x7e: {  	_ =	shalt  }
0x7f: {  	_ =	shalt  }
0x80: {  	_ =	shalt  }
0x81: {  	_ =	shalt  }
0x82: {  	_ =	shalt  }
0x83: {  	_ =	shalt  }
0x84: {  	_ =	shalt  }
0x85: {  	_ =	shalt  }
0x86: {  	_ =	shalt  }
0x87: {  	_ =	shalt  }
.Lfunc_end0:
.L_simem_size_0:
called_computation.1_lowered:
.L_overlay_start_0:
0x88: {  	s2 =	sld [smem:$0x3FD9]  }
0x89: {  	s3 =	sld [smem:$0x3FFE];
	_ =	sdelay $0x1  }
0x8a: {  	s1 =	srdreg.scid  }
0x8b: {  	s0 =	sand.u32 $0x1, s1  }
0x8c: {  	s17 =	sshll.u32 s0, $0xA;
	s2 =	sadd.s32 s3, s2  }
0x8d: {  	s2 =	sadd.s32 s2, s17  }
0x8e: {  	[smem:$0x3FC6] =	sst s2  }
0x8f: {  	_ = 	snop  }
0x90: {  	s2 =	sld [smem:$0x3FD0];
	(tm) =	ssettm $0x1  }
0x91: {  	s18 =	sld [smem:$0x3FFB];
	_ =	sdelay $0x3  }
0x92: {  	_ =	strace s18  }
0x93: {  	s3 =	sld [smem:$0x3FFC];
	_ =	sdelay $0x3  }
0x94: {  	_ =	strace s3  }
0x95: {  	s3 =	sld [smem:$0x3FFD];
	_ =	sdelay $0x3  }
0x96: {  	_ =	strace s3  }
0x97: {  	_ =	strace $0x8FFFFFFF  }
0x98: {  	s19 =	sld [smem:$0x3FDB];
	_ =	sdelay $0x1  }
0x99: {  	s4 =	simm.s32 $_scs_section_size  }
0x9a: {  	s5 =	simm.s32 $_size__tile_overlayer_lowered;
	s6 =	simm.s32 $_tile_overlayer_lowered  }
0x9b: {  	s22 =	simm.s32 $0x1BFF;
	s21 =	sshll.u32 s6, $0x1;
	s3 =	sadd.s32 s4, s19  }
0x9c: {  	s7 =	simm.s32 $0x0;
	s20 =	sshll.u32 s5, $0x1;
	s5 =	sadd.s32 s21, s3  }
0x9d: {  	[timem:s7], [sflag:s22] =	dma.local [hbm:s5], s20  }
0x9e: {  	_ =	swait.ge [sflag:s22], s20  }
0x9f: {  	s4 =	ssub.s32 $0x0, s20;
	[sflag:s22] =	ssyncset.done $0x0  }
0xa0: {  	[sflag:s22] =	ssyncadd.s32 s4;
	_ =	sdelay $0x1  }
0xa1: {  	s23 =	simm.s32 $0x1B8B  }
0xa2: {  	_ =	swait.ge [sflag:s23], $0x1  }
0xa3: {  	[sflag:s23] =	ssyncset.done $0x0  }
0xa4: {  	s25 =	simm.s32 $0x1B8E;
	s24 =	sld [smem:$0x3FFE];
	[sflag:s23] =	ssyncadd.s32 $0xFFFFFFFF  }
0xa5: {  	s26 =	simm.s32 $execute0_lowered;
	[smem:$0x3FD2] =	sst s25  }
0xa6: {  	s5 =	sshll.u32 s26, $0x1;
	_ =	strace $0x80000046;
	[dreg:$0x1] =	wrdreg $0xFFFFFFFF  }
0xa7: {  	s28 =	simm.s32 $_size_execute0_lowered;
	s3 =	sadd.s32 s3, s5;
	[dreg:$0x0] =	wrdreg $0x0  }
0xa8: {  	s5 =	sshll.u32 s28, $0x1;
	[dreg:$0x2] =	wrdreg s3  }
0xa9: {  	[dreg:$0x3] =	wrdreg s5  }
0xaa: {  	[dreg:$0x4] =	wrdreg $0xC0  }
0xab: {  	_ =	task [dreg:s7], $0x5FFFF  }
0xac: {  	[dreg:$0x1] =	wrdreg $0xFFFFFFFF  }
0xad: {  	[dreg:$0x0] =	wrdreg $0x60  }
0xae: {  	[dreg:$0x2] =	wrdreg s24  }
0xaf: {  	[dreg:$0x3] =	wrdreg s2  }
0xb0: {  	[dreg:$0x4] =	wrdreg $0x9  }
0xb1: {  	_ =	task.clear_ibuf [dreg:s7], $0x5FFFF;
	_ =	strace $0x90000046  }
0xb2: {  	s29 =	simm.s32 $0x9;
	_ =	strace $0x80000048  }
0xb3: {  	_ =	swait.ge [sflag:s29], $0x1  }
0xb4: {  	[sflag:s29] =	ssyncadd.s32 $0xFFFFFFFF  }
0xb5: {  	_ =	strace $0x90000048  }
0xb6: {  	_ =	sfence  }
0xb7: {  	s30 =	sld [smem:$0x0];
	_ =	sdelay $0x2  }
0xb8: {  	s31 =	sshll.u32 s1, $0xD;
	s1 =	sshrl.u32 s1, $0x2  }
0xb9: {  	s3 =	sand.u32 $0x4000, s31;
	s1 =	sadd.s32 s1, s30  }
0xba: {  	s0 =	sor.u32 s3, s0;
	s1 =	sshll.u32 s1, $0x11  }
0xbb: {  	s0 =	sor.u32 s1, s0  }
0xbc: {  	s0 =	sadd.s32 $0x8F2B, s0  }
0xbd: {  	[sflag:s0] =	ssyncadd.remote.s32 $0x1  }
0xbe: {  	_ =	sfence.sel $0xFFFF  }
0xbf: {  	[dreg:$0x0] =	wrdreg $0xFFFFFFFF;
	(pc) =	sbr.abs _section_cstart, $3  }
0xc0: {  	[dreg:$0x1] =	wrdreg $0xFFFFFFFF  }
0xc1: {  	_ =	task.clear_ibuf [dreg:s7], $0x2FFFF;
	_ =	strace $0x9FFFFFFF  }
0xc2: {  	(tm) =	ssettm $0x7FFFFFFF  }
0xc3: {  	_ =	shalt  }
tec
execute0_lowered:
.L_overlay_start_1:
0x0: {  	(tag) =	ssettag $0x1  }
0x1: {  	s0 =	srdreg.scid;
	s2 =	stileid.u32  }
0x2: {  	s1 =	rddreg [dreg:$0x0];
	s9 =	simm.s32 $0x9;
	s11 =	simm.s32 $0x80  }
0x3: {  	s12 =	simm.s32 $0x9600;
	s13 =	simm.s32 $0x48;
	s16 =	simm.s32 $0xC800  }
0x4: {  	s20 =	simm.s32 $0xFA00;
	s22 =	simm.s32 $0x11A00;
	s23 =	simm.s32 $0x1  }
0x5: {  	s24 =	simm.s32 $0x12C00;
	s25 =	simm.s32 $0x14C00;
	s28 =	simm.s32 $0x3  }
0x6: {  	s29 =	simm.s32 $0x4;
	s30 =	simm.s32 $0x5;
	s0 =	sand.u32 $0x1, s0  }
0x7: {  	s31 =	simm.s32 $0x6;
	s3 =	sshll.u32 s2, $0x8;
	s4 =	sshll.u32 s0, $0x7  }
0x8: {  	s10 =	simm.s32 $0x0;
	s0 =	ssub.s32 $0x2, s0;
	s3 =	sor.u32 s4, s3  }
0x9: {  	s4 =	simm.s32 $0x0;
	s7 =	sshrl.u32 s0, $0x1;
	s5 =	smul.u32 $0x19, s3  }
.Ltmp0:
0xa: {  	[smem:$0x7FF] =	sst s4;
	s0 =	ssub.s32 s0, s7;
	(pc) =	sbr.rel .LBB2_1-.Ltmp0, $4  }
0xb: {  	s2 =	rddreg [dreg:$0x1];
	_ =	strace $0x80000047;
	s8 =	smax.u32 s0, $0x1  }
0xc: {  	s6 =	sadd.s32 s5, s1;
	s5 =	sadd.s32 $0xF43800, s1;
	s1 =	sadd.s32 $0xC00, s1  }
0xd: {  	s0 =	simm.s32 $0x8;
	[dreg:$0x3] =	wrdreg s1;
	s26 =	sadd.s32 $0x1400, s6  }
0xe: {  	s1 =	simm.s32 $0x7;
	[dreg:$0x4] =	wrdreg s26;
	s26 =	simm.s32 $0x2  }
.LBB2_12:
0xf: {  	_ =	swait.ge [sflag:s30], $0x3200  }
0x10: {  	[sflag:s30] =	ssyncset.done $0x0  }
0x11: {  	[sflag:s30] =	ssyncadd.s32 $0xFFFFCE00  }
0x12: {  	_ =	swait.ge [sflag:s31], $0x3200  }
0x13: {  	[sflag:s31] =	ssyncset.done $0x0  }
0x14: {  	s10 =	sadd.s32 $0x1, s10;
	[sflag:s31] =	ssyncadd.s32 $0xFFFFCE00  }
0x15: {  	p0 =	sne.s32 s10, s8;
	_ =	swait.ge [sflag:s1], $0x3200  }
.Ltmp1:
0x16: {  	[sflag:s1] =	ssyncset.done $0x0;
	(pc) =	sbr.rel @!p0 .LBB2_13-.Ltmp1, $4  }
0x17: {  	[sflag:s1] =	ssyncadd.s32 $0xFFFFCE00  }
0x18: {  	_ =	swait.ge [sflag:s0], $0x3200  }
0x19: {  	[sflag:s0] =	ssyncset.done $0x0  }
0x1a: {  	[sflag:s0] =	ssyncadd.s32 $0xFFFFCE00  }
.LBB2_1:
0x1b: {  	s6 =	rddreg [dreg:$0x4]  }
0x1c: {  	[tilespmem:s4], [sflag:$0x9] =	stream.linear.gather [hbm4b:s6+s4], $0x6400, $0x38;
	[tilespmem:$0x15E00] =	vst v63  }
0x1d: {  	_ =	swait.ge [sflag:s9], $0x6400  }
0x1e: {  	[sflag:s9] =	ssyncset.done $0x0  }
0x1f: {  	s7 =	simm.s32 $0x6400;
	s21 =	rddreg [dreg:$0x3];
	[sflag:s9] =	ssyncadd.s32 $0xFFFF9C00  }
0x20: {  	[tilespmem:s7], [sflag:$0x9] =	stream.linear.gather [hbm4b:s21+s4], $0x3200, $0x38;
	[tilespmem:$0x15E00] =	vst v63  }
0x21: {  	_ =	swait.ge [sflag:s9], $0x3200  }
0x22: {  	[sflag:s9] =	ssyncset.done $0x0  }
0x23: {  	[sflag:s9] =	ssyncadd.s32 $0xFFFFCE00  }
0x24: {  	[tilespmem:s12], [sflag:$0x1] =	stream.indirect.gather [hbm4b:s5+s11], $0x40, s4, s11, $0xb8;
	[tilespmem:$0x15E00] =	vst v63  }
0x25: {  	s14 =	simm.s32 $0xB600  }
0x26: {  	[tilespmem:s14], [sflag:$0x1] =	stream.indirect.gather [hbm4b:s5+s13], $0x40, s11, s13, $0xb8;
	[tilespmem:$0x15E00] =	vst v63  }
0x27: {  	s15 =	simm.s32 $0xC8  }
0x28: {  	[tilespmem:s16], [sflag:$0x2] =	stream.indirect.gather [hbm4b:s5+s11], $0x40, s15, s11, $0xb8;
	[tilespmem:$0x15E00] =	vst v63  }
0x29: {  	s17 =	simm.s32 $0x148;
	s18 =	simm.s32 $0xE800  }
0x2a: {  	[tilespmem:s18], [sflag:$0x2] =	stream.indirect.gather [hbm4b:s5+s13], $0x40, s17, s13, $0xb8;
	[tilespmem:$0x15E00] =	vst v63  }
0x2b: {  	s19 =	simm.s32 $0x190  }
0x2c: {  	[tilespmem:s20], [sflag:$0x3] =	stream.indirect.gather [hbm4b:s5+s11], $0x40, s19, s11, $0xb8;
	[tilespmem:$0x15E00] =	vst v63  }
0x2d: {  	s21 =	simm.s32 $0x210;
	s14 =	simm.s32 $0x0  }
0x2e: {  	[tilespmem:s22], [sflag:$0x3] =	stream.indirect.gather [hbm4b:s5+s13], $0x40, s21, s13, $0xb8;
	[tilespmem:$0x15E00] =	vst v63  }
.LBB2_2:
0x2f: {  	_ =	swait.ge [sflag:s23], $0x2000  }
0x30: {  	[sflag:s23] =	ssyncset.done $0x0  }
0x31: {  	[sflag:s23] =	ssyncadd.s32 $0xFFFFE000  }
0x32: {  	_ =	swait.ge [sflag:s23], $0x1200  }
0x33: {  	[sflag:s23] =	ssyncset.done $0x0  }
0x34: {  	s15 =	simm.s32 $0x9680;
	[sflag:s23] =	ssyncadd.s32 $0xFFFFEE00  }
0x35: {  	s17 =	simm.s32 $0x6480;
	v0 =	vld [tilespmem:s15+$0xFFFFFF80]  }
0x36: {  	v1 =	vld [tilespmem:s17+$0xFFFFFF80];
	_ =	sdelay $0x4  }
0x37: {  	v0 =	vadd.f32 v1, v0;
	_ =	sdelay $0x1  }
0x38: {  	[tilespmem:s15+$0xFFFFFF80] =	vst v0;
	v0 =	vld [tilespmem:s15+$0xFFFFFF90]  }
0x39: {  	v1 =	vld [tilespmem:s17+$0xFFFFFF90];
	_ =	sdelay $0x4  }
0x3a: {  	v0 =	vadd.f32 v1, v0;
	_ =	sdelay $0x1  }
0x3b: {  	[tilespmem:s15+$0xFFFFFF90] =	vst v0;
	v0 =	vld [tilespmem:s15+$0xFFFFFFA0]  }
0x3c: {  	v1 =	vld [tilespmem:s17+$0xFFFFFFA0];
	_ =	sdelay $0x4  }
0x3d: {  	v0 =	vadd.f32 v1, v0;
	_ =	sdelay $0x1  }
0x3e: {  	[tilespmem:s15+$0xFFFFFFA0] =	vst v0;
	v0 =	vld [tilespmem:s15+$0xFFFFFFB0]  }
0x3f: {  	v1 =	vld [tilespmem:s17+$0xFFFFFFB0];
	_ =	sdelay $0x4  }
0x40: {  	v0 =	vadd.f32 v1, v0;
	_ =	sdelay $0x1  }
0x41: {  	[tilespmem:s15+$0xFFFFFFB0] =	vst v0;
	v0 =	vld [tilespmem:s15+$0xFFFFFFC0]  }
0x42: {  	v1 =	vld [tilespmem:s17+$0xFFFFFFC0];
	_ =	sdelay $0x4  }
0x43: {  	v0 =	vadd.f32 v1, v0;
	_ =	sdelay $0x1  }
0x44: {  	[tilespmem:s15+$0xFFFFFFC0] =	vst v0;
	v0 =	vld [tilespmem:s15+$0xFFFFFFD0]  }
0x45: {  	v1 =	vld [tilespmem:s17+$0xFFFFFFD0];
	_ =	sdelay $0x4  }
0x46: {  	v0 =	vadd.f32 v1, v0;
	_ =	sdelay $0x1  }
0x47: {  	[tilespmem:s15+$0xFFFFFFD0] =	vst v0;
	v0 =	vld [tilespmem:s15+$0xFFFFFFE0]  }
0x48: {  	v1 =	vld [tilespmem:s17+$0xFFFFFFE0];
	_ =	sdelay $0x4  }
0x49: {  	v0 =	vadd.f32 v1, v0;
	_ =	sdelay $0x1  }
0x4a: {  	[tilespmem:s15+$0xFFFFFFE0] =	vst v0;
	v0 =	vld [tilespmem:s15+$0xFFFFFFF0]  }
0x4b: {  	v1 =	vld [tilespmem:s17+$0xFFFFFFF0];
	_ =	sdelay $0x4  }
0x4c: {  	v0 =	vadd.f32 v1, v0;
	_ =	sdelay $0x1  }
0x4d: {  	[tilespmem:s15+$0xFFFFFFF0] =	vst v0;
	v0 =	vld [tilespmem:s15+$0x0]  }
0x4e: {  	v1 =	vld [tilespmem:s17+$0x0];
	_ =	sdelay $0x4  }
0x4f: {  	v0 =	vadd.f32 v1, v0;
	_ =	sdelay $0x1  }
0x50: {  	[tilespmem:s15+$0x0] =	vst v0;
	v0 =	vld [tilespmem:s15+$0x10]  }
0x51: {  	v1 =	vld [tilespmem:s17+$0x10];
	_ =	sdelay $0x4  }
0x52: {  	v0 =	vadd.f32 v1, v0;
	_ =	sdelay $0x1  }
0x53: {  	[tilespmem:s15+$0x10] =	vst v0;
	v0 =	vld [tilespmem:s15+$0x20]  }
0x54: {  	v1 =	vld [tilespmem:s17+$0x20];
	_ =	sdelay $0x4  }
0x55: {  	v0 =	vadd.f32 v1, v0;
	_ =	sdelay $0x1  }
0x56: {  	[tilespmem:s15+$0x20] =	vst v0;
	v0 =	vld [tilespmem:s15+$0x30]  }
0x57: {  	v1 =	vld [tilespmem:s17+$0x30];
	_ =	sdelay $0x4  }
0x58: {  	v0 =	vadd.f32 v1, v0;
	_ =	sdelay $0x1  }
0x59: {  	[tilespmem:s15+$0x30] =	vst v0;
	v0 =	vld [tilespmem:s15+$0x40]  }
0x5a: {  	v1 =	vld [tilespmem:s17+$0x40];
	_ =	sdelay $0x4  }
0x5b: {  	v0 =	vadd.f32 v1, v0;
	_ =	sdelay $0x1  }
0x5c: {  	[tilespmem:s15+$0x40] =	vst v0;
	v0 =	vld [tilespmem:s15+$0x50]  }
0x5d: {  	v1 =	vld [tilespmem:s17+$0x50];
	_ =	sdelay $0x4  }
0x5e: {  	v0 =	vadd.f32 v1, v0;
	_ =	sdelay $0x1  }
0x5f: {  	[tilespmem:s15+$0x50] =	vst v0;
	v0 =	vld [tilespmem:s15+$0x60]  }
0x60: {  	v1 =	vld [tilespmem:s17+$0x60];
	_ =	sdelay $0x4  }
0x61: {  	v0 =	vadd.f32 v1, v0;
	_ =	sdelay $0x1  }
0x62: {  	[tilespmem:s15+$0x60] =	vst v0;
	v0 =	vld [tilespmem:s15+$0x70]  }
0x63: {  	v1 =	vld [tilespmem:s17+$0x70];
	_ =	sdelay $0x4  }
0x64: {  	v0 =	vadd.f32 v1, v0  }
0x65: {  	s18 =	simm.s32 $0x0;
	s6 =	simm.s32 $0x9780  }
.LBB2_3:
0x66: {  	v1 =	vld [tilespmem:s6+$0xFFFFFF80];
	[tilespmem:s15+$0x70] =	vst v0;
	s17 =	sadd.s32 $0x100, s17;
	s15 =	smov.u32 s6  }
0x67: {  	s18 =	sadd.s32 $0x4, s18;
	v0 =	vld [tilespmem:s17+$0xFFFFFF80]  }
0x68: {  	p0 =	slt.u32 s18, $0xC4;
	_ =	sdelay $0x3  }
0x69: {  	v0 =	vadd.f32 v0, v1;
	_ =	sdelay $0x1  }
0x6a: {  	[tilespmem:s6+$0xFFFFFF80] =	vst v0;
	v0 =	vld [tilespmem:s6+$0xFFFFFF90]  }
0x6b: {  	v1 =	vld [tilespmem:s17+$0xFFFFFF90];
	_ =	sdelay $0x4  }
0x6c: {  	v0 =	vadd.f32 v1, v0;
	_ =	sdelay $0x1  }
0x6d: {  	[tilespmem:s6+$0xFFFFFF90] =	vst v0;
	v0 =	vld [tilespmem:s6+$0xFFFFFFA0]  }
0x6e: {  	v1 =	vld [tilespmem:s17+$0xFFFFFFA0];
	_ =	sdelay $0x4  }
0x6f: {  	v0 =	vadd.f32 v1, v0;
	_ =	sdelay $0x1  }
0x70: {  	[tilespmem:s6+$0xFFFFFFA0] =	vst v0;
	v0 =	vld [tilespmem:s6+$0xFFFFFFB0]  }
0x71: {  	v1 =	vld [tilespmem:s17+$0xFFFFFFB0];
	_ =	sdelay $0x4  }
0x72: {  	v0 =	vadd.f32 v1, v0;
	_ =	sdelay $0x1  }
0x73: {  	[tilespmem:s6+$0xFFFFFFB0] =	vst v0;
	v0 =	vld [tilespmem:s6+$0xFFFFFFC0]  }
0x74: {  	v1 =	vld [tilespmem:s17+$0xFFFFFFC0];
	_ =	sdelay $0x4  }
0x75: {  	v0 =	vadd.f32 v1, v0;
	_ =	sdelay $0x1  }
0x76: {  	[tilespmem:s6+$0xFFFFFFC0] =	vst v0;
	v0 =	vld [tilespmem:s6+$0xFFFFFFD0]  }
0x77: {  	v1 =	vld [tilespmem:s17+$0xFFFFFFD0];
	_ =	sdelay $0x4  }
0x78: {  	v0 =	vadd.f32 v1, v0;
	_ =	sdelay $0x1  }
0x79: {  	[tilespmem:s6+$0xFFFFFFD0] =	vst v0;
	v0 =	vld [tilespmem:s6+$0xFFFFFFE0]  }
0x7a: {  	v1 =	vld [tilespmem:s17+$0xFFFFFFE0];
	_ =	sdelay $0x4  }
0x7b: {  	v0 =	vadd.f32 v1, v0;
	_ =	sdelay $0x1  }
0x7c: {  	[tilespmem:s6+$0xFFFFFFE0] =	vst v0;
	v0 =	vld [tilespmem:s6+$0xFFFFFFF0]  }
0x7d: {  	v1 =	vld [tilespmem:s17+$0xFFFFFFF0];
	_ =	sdelay $0x4  }
0x7e: {  	v0 =	vadd.f32 v1, v0;
	_ =	sdelay $0x1  }
0x7f: {  	[tilespmem:s6+$0xFFFFFFF0] =	vst v0;
	v0 =	vld [tilespmem:s6+$0x0]  }
0x80: {  	v1 =	vld [tilespmem:s17+$0x0];
	_ =	sdelay $0x4  }
0x81: {  	v0 =	vadd.f32 v1, v0;
	_ =	sdelay $0x1  }
0x82: {  	[tilespmem:s6+$0x0] =	vst v0;
	v0 =	vld [tilespmem:s6+$0x10]  }
0x83: {  	v1 =	vld [tilespmem:s17+$0x10];
	_ =	sdelay $0x4  }
0x84: {  	v0 =	vadd.f32 v1, v0;
	_ =	sdelay $0x1  }
0x85: {  	[tilespmem:s6+$0x10] =	vst v0;
	v0 =	vld [tilespmem:s6+$0x20]  }
0x86: {  	v1 =	vld [tilespmem:s17+$0x20];
	_ =	sdelay $0x4  }
0x87: {  	v0 =	vadd.f32 v1, v0;
	_ =	sdelay $0x1  }
0x88: {  	[tilespmem:s6+$0x20] =	vst v0;
	v0 =	vld [tilespmem:s6+$0x30]  }
0x89: {  	v1 =	vld [tilespmem:s17+$0x30];
	_ =	sdelay $0x4  }
0x8a: {  	v0 =	vadd.f32 v1, v0;
	_ =	sdelay $0x1  }
0x8b: {  	[tilespmem:s6+$0x30] =	vst v0;
	v0 =	vld [tilespmem:s6+$0x40]  }
0x8c: {  	v1 =	vld [tilespmem:s17+$0x40];
	_ =	sdelay $0x4  }
0x8d: {  	v0 =	vadd.f32 v1, v0;
	_ =	sdelay $0x1  }
0x8e: {  	[tilespmem:s6+$0x40] =	vst v0;
	v0 =	vld [tilespmem:s6+$0x50]  }
0x8f: {  	v1 =	vld [tilespmem:s17+$0x50];
	_ =	sdelay $0x4  }
0x90: {  	v0 =	vadd.f32 v1, v0;
	_ =	sdelay $0x1  }
0x91: {  	[tilespmem:s6+$0x50] =	vst v0;
	v0 =	vld [tilespmem:s6+$0x60]  }
0x92: {  	v1 =	vld [tilespmem:s17+$0x60];
	_ =	sdelay $0x4  }
0x93: {  	v0 =	vadd.f32 v1, v0;
	_ =	sdelay $0x1  }
0x94: {  	[tilespmem:s6+$0x60] =	vst v0;
	v0 =	vld [tilespmem:s6+$0x70]  }
0x95: {  	v1 =	vld [tilespmem:s17+$0x70];
	_ =	sdelay $0x1  }
.Ltmp2:
0x96: {  	(pc) =	sbr.rel @p0 .LBB2_3-.Ltmp2, $3  }
0x97: {  	_ =	sdelay $0x1  }
0x98: {  	v0 =	vadd.f32 v1, v0  }
0x99: {  	s6 =	sadd.s32 $0x100, s6  }
0x9a: {  	s17 =	sshll.u32 s14, $0x2  }
0x9b: {  	s6 =	sadd.s32 s3, s17  }
0x9c: {  	s6 =	smul.u32 $0x640, s6;
	_ =	sdelay $0x1  }
0x9d: {  	[tilespmem:s15+$0x70] =	vst v0;
	p0 =	seq.s32 s14, $0x0;
	s6 =	sadd.s32 s2, s6  }
0x9e: {  	[hbm4b:s6+s4] =	stream.linear.scatter [tilespmem:s12], [sflag:$0x5], $0x3200, $0x38;
	[tilespmem:$0x15E00] =	vst v63  }
0x9f: {  	s15 =	sshllo.u32 s14, $0x2;
	s6 =	simm.s32 @!p0 $0x8  }
0xa0: {  	s7 =	smul.u32 $0x320, s15;
	_ =	swait.ge @!p0 [sflag:s6], $0x3200  }
0xa1: {  	[sflag:s6] =	ssyncset.done @!p0 $0x0  }
0xa2: {  	s21 =	sshra.s32 s7, $0x2;
	[sflag:s6] =	ssyncadd.s32 @!p0 $0xFFFFCE00  }
0xa3: {  	[tilespmem:s24], [sflag:$0x4] =	stream.indirect.gather [hbm4b:s5+s11], $0x40, s21, s11, $0xb8;
	[tilespmem:$0x15E00] =	vst v63  }
0xa4: {  	s6 =	sadd.s32 $0x80, s21  }
0xa5: {  	[tilespmem:s25], [sflag:$0x4] =	stream.indirect.gather [hbm4b:s5+s13], $0x40, s6, s13, $0xb8;
	[tilespmem:$0x15E00] =	vst v63  }
0xa6: {  	_ =	swait.ge [sflag:s26], $0x2000  }
0xa7: {  	[sflag:s26] =	ssyncset.done $0x0  }
0xa8: {  	[sflag:s26] =	ssyncadd.s32 $0xFFFFE000  }
0xa9: {  	_ =	swait.ge [sflag:s26], $0x1200  }
0xaa: {  	[sflag:s26] =	ssyncset.done $0x0  }
0xab: {  	s18 =	simm.s32 $0xC880;
	[sflag:s26] =	ssyncadd.s32 $0xFFFFEE00  }
0xac: {  	s19 =	simm.s32 $0x6480;
	v0 =	vld [tilespmem:s18+$0xFFFFFF80]  }
0xad: {  	v1 =	vld [tilespmem:s19+$0xFFFFFF80];
	_ =	sdelay $0x4  }
0xae: {  	v0 =	vadd.f32 v1, v0;
	_ =	sdelay $0x1  }
0xaf: {  	[tilespmem:s18+$0xFFFFFF80] =	vst v0;
	v0 =	vld [tilespmem:s18+$0xFFFFFF90]  }
0xb0: {  	v1 =	vld [tilespmem:s19+$0xFFFFFF90];
	_ =	sdelay $0x4  }
0xb1: {  	v0 =	vadd.f32 v1, v0;
	_ =	sdelay $0x1  }
0xb2: {  	[tilespmem:s18+$0xFFFFFF90] =	vst v0;
	v0 =	vld [tilespmem:s18+$0xFFFFFFA0]  }
0xb3: {  	v1 =	vld [tilespmem:s19+$0xFFFFFFA0];
	_ =	sdelay $0x4  }
0xb4: {  	v0 =	vadd.f32 v1, v0;
	_ =	sdelay $0x1  }
0xb5: {  	[tilespmem:s18+$0xFFFFFFA0] =	vst v0;
	v0 =	vld [tilespmem:s18+$0xFFFFFFB0]  }
0xb6: {  	v1 =	vld [tilespmem:s19+$0xFFFFFFB0];
	_ =	sdelay $0x4  }
0xb7: {  	v0 =	vadd.f32 v1, v0;
	_ =	sdelay $0x1  }
0xb8: {  	[tilespmem:s18+$0xFFFFFFB0] =	vst v0;
	v0 =	vld [tilespmem:s18+$0xFFFFFFC0]  }
0xb9: {  	v1 =	vld [tilespmem:s19+$0xFFFFFFC0];
	_ =	sdelay $0x4  }
0xba: {  	v0 =	vadd.f32 v1, v0;
	_ =	sdelay $0x1  }
0xbb: {  	[tilespmem:s18+$0xFFFFFFC0] =	vst v0;
	v0 =	vld [tilespmem:s18+$0xFFFFFFD0]  }
0xbc: {  	v1 =	vld [tilespmem:s19+$0xFFFFFFD0];
	_ =	sdelay $0x4  }
0xbd: {  	v0 =	vadd.f32 v1, v0;
	_ =	sdelay $0x1  }
0xbe: {  	[tilespmem:s18+$0xFFFFFFD0] =	vst v0;
	v0 =	vld [tilespmem:s18+$0xFFFFFFE0]  }
0xbf: {  	v1 =	vld [tilespmem:s19+$0xFFFFFFE0];
	_ =	sdelay $0x4  }
0xc0: {  	v0 =	vadd.f32 v1, v0;
	_ =	sdelay $0x1  }
0xc1: {  	[tilespmem:s18+$0xFFFFFFE0] =	vst v0;
	v0 =	vld [tilespmem:s18+$0xFFFFFFF0]  }
0xc2: {  	v1 =	vld [tilespmem:s19+$0xFFFFFFF0];
	_ =	sdelay $0x4  }
0xc3: {  	v0 =	vadd.f32 v1, v0;
	_ =	sdelay $0x1  }
0xc4: {  	[tilespmem:s18+$0xFFFFFFF0] =	vst v0;
	v0 =	vld [tilespmem:s18+$0x0]  }
0xc5: {  	v1 =	vld [tilespmem:s19+$0x0];
	_ =	sdelay $0x4  }
0xc6: {  	v0 =	vadd.f32 v1, v0;
	_ =	sdelay $0x1  }
0xc7: {  	[tilespmem:s18+$0x0] =	vst v0;
	v0 =	vld [tilespmem:s18+$0x10]  }
0xc8: {  	v1 =	vld [tilespmem:s19+$0x10];
	_ =	sdelay $0x4  }
0xc9: {  	v0 =	vadd.f32 v1, v0;
	_ =	sdelay $0x1  }
0xca: {  	[tilespmem:s18+$0x10] =	vst v0;
	v0 =	vld [tilespmem:s18+$0x20]  }
0xcb: {  	v1 =	vld [tilespmem:s19+$0x20];
	_ =	sdelay $0x4  }
0xcc: {  	v0 =	vadd.f32 v1, v0;
	_ =	sdelay $0x1  }
0xcd: {  	[tilespmem:s18+$0x20] =	vst v0;
	v0 =	vld [tilespmem:s18+$0x30]  }
0xce: {  	v1 =	vld [tilespmem:s19+$0x30];
	_ =	sdelay $0x4  }
0xcf: {  	v0 =	vadd.f32 v1, v0;
	_ =	sdelay $0x1  }
0xd0: {  	[tilespmem:s18+$0x30] =	vst v0;
	v0 =	vld [tilespmem:s18+$0x40]  }
0xd1: {  	v1 =	vld [tilespmem:s19+$0x40];
	_ =	sdelay $0x4  }
0xd2: {  	v0 =	vadd.f32 v1, v0;
	_ =	sdelay $0x1  }
0xd3: {  	[tilespmem:s18+$0x40] =	vst v0;
	v0 =	vld [tilespmem:s18+$0x50]  }
0xd4: {  	v1 =	vld [tilespmem:s19+$0x50];
	_ =	sdelay $0x4  }
0xd5: {  	v0 =	vadd.f32 v1, v0;
	_ =	sdelay $0x1  }
0xd6: {  	[tilespmem:s18+$0x50] =	vst v0;
	v0 =	vld [tilespmem:s18+$0x60]  }
0xd7: {  	v1 =	vld [tilespmem:s19+$0x60];
	_ =	sdelay $0x4  }
0xd8: {  	v0 =	vadd.f32 v1, v0;
	_ =	sdelay $0x1  }
0xd9: {  	[tilespmem:s18+$0x60] =	vst v0;
	v0 =	vld [tilespmem:s18+$0x70]  }
0xda: {  	v1 =	vld [tilespmem:s19+$0x70];
	_ =	sdelay $0x4  }
0xdb: {  	v0 =	vadd.f32 v1, v0  }
0xdc: {  	s21 =	simm.s32 $0x0;
	s6 =	simm.s32 $0xC980  }
.LBB2_5:
0xdd: {  	v1 =	vld [tilespmem:s6+$0xFFFFFF80];
	[tilespmem:s18+$0x70] =	vst v0;
	s19 =	sadd.s32 $0x100, s19;
	s18 =	smov.u32 s6  }
0xde: {  	s21 =	sadd.s32 $0x4, s21;
	v0 =	vld [tilespmem:s19+$0xFFFFFF80]  }
0xdf: {  	p0 =	slt.u32 s21, $0xC4;
	_ =	sdelay $0x3  }
0xe0: {  	v0 =	vadd.f32 v0, v1;
	_ =	sdelay $0x1  }
0xe1: {  	[tilespmem:s6+$0xFFFFFF80] =	vst v0;
	v0 =	vld [tilespmem:s6+$0xFFFFFF90]  }
0xe2: {  	v1 =	vld [tilespmem:s19+$0xFFFFFF90];
	_ =	sdelay $0x4  }
0xe3: {  	v0 =	vadd.f32 v1, v0;
	_ =	sdelay $0x1  }
0xe4: {  	[tilespmem:s6+$0xFFFFFF90] =	vst v0;
	v0 =	vld [tilespmem:s6+$0xFFFFFFA0]  }
0xe5: {  	v1 =	vld [tilespmem:s19+$0xFFFFFFA0];
	_ =	sdelay $0x4  }
0xe6: {  	v0 =	vadd.f32 v1, v0;
	_ =	sdelay $0x1  }
0xe7: {  	[tilespmem:s6+$0xFFFFFFA0] =	vst v0;
	v0 =	vld [tilespmem:s6+$0xFFFFFFB0]  }
0xe8: {  	v1 =	vld [tilespmem:s19+$0xFFFFFFB0];
	_ =	sdelay $0x4  }
0xe9: {  	v0 =	vadd.f32 v1, v0;
	_ =	sdelay $0x1  }
0xea: {  	[tilespmem:s6+$0xFFFFFFB0] =	vst v0;
	v0 =	vld [tilespmem:s6+$0xFFFFFFC0]  }
0xeb: {  	v1 =	vld [tilespmem:s19+$0xFFFFFFC0];
	_ =	sdelay $0x4  }
0xec: {  	v0 =	vadd.f32 v1, v0;
	_ =	sdelay $0x1  }
0xed: {  	[tilespmem:s6+$0xFFFFFFC0] =	vst v0;
	v0 =	vld [tilespmem:s6+$0xFFFFFFD0]  }
0xee: {  	v1 =	vld [tilespmem:s19+$0xFFFFFFD0];
	_ =	sdelay $0x4  }
0xef: {  	v0 =	vadd.f32 v1, v0;
	_ =	sdelay $0x1  }
0xf0: {  	[tilespmem:s6+$0xFFFFFFD0] =	vst v0;
	v0 =	vld [tilespmem:s6+$0xFFFFFFE0]  }
0xf1: {  	v1 =	vld [tilespmem:s19+$0xFFFFFFE0];
	_ =	sdelay $0x4  }
0xf2: {  	v0 =	vadd.f32 v1, v0;
	_ =	sdelay $0x1  }
0xf3: {  	[tilespmem:s6+$0xFFFFFFE0] =	vst v0;
	v0 =	vld [tilespmem:s6+$0xFFFFFFF0]  }
0xf4: {  	v1 =	vld [tilespmem:s19+$0xFFFFFFF0];
	_ =	sdelay $0x4  }
0xf5: {  	v0 =	vadd.f32 v1, v0;
	_ =	sdelay $0x1  }
0xf6: {  	[tilespmem:s6+$0xFFFFFFF0] =	vst v0;
	v0 =	vld [tilespmem:s6+$0x0]  }
0xf7: {  	v1 =	vld [tilespmem:s19+$0x0];
	_ =	sdelay $0x4  }
0xf8: {  	v0 =	vadd.f32 v1, v0;
	_ =	sdelay $0x1  }
0xf9: {  	[tilespmem:s6+$0x0] =	vst v0;
	v0 =	vld [tilespmem:s6+$0x10]  }
0xfa: {  	v1 =	vld [tilespmem:s19+$0x10];
	_ =	sdelay $0x4  }
0xfb: {  	v0 =	vadd.f32 v1, v0;
	_ =	sdelay $0x1  }
0xfc: {  	[tilespmem:s6+$0x10] =	vst v0;
	v0 =	vld [tilespmem:s6+$0x20]  }
0xfd: {  	v1 =	vld [tilespmem:s19+$0x20];
	_ =	sdelay $0x4  }
0xfe: {  	v0 =	vadd.f32 v1, v0;
	_ =	sdelay $0x1  }
0xff: {  	[tilespmem:s6+$0x20] =	vst v0;
	v0 =	vld [tilespmem:s6+$0x30]  }
0x100: {  	v1 =	vld [tilespmem:s19+$0x30];
	_ =	sdelay $0x4  }
0x101: {  	v0 =	vadd.f32 v1, v0;
	_ =	sdelay $0x1  }
0x102: {  	[tilespmem:s6+$0x30] =	vst v0;
	v0 =	vld [tilespmem:s6+$0x40]  }
0x103: {  	v1 =	vld [tilespmem:s19+$0x40];
	_ =	sdelay $0x4  }
0x104: {  	v0 =	vadd.f32 v1, v0;
	_ =	sdelay $0x1  }
0x105: {  	[tilespmem:s6+$0x40] =	vst v0;
	v0 =	vld [tilespmem:s6+$0x50]  }
0x106: {  	v1 =	vld [tilespmem:s19+$0x50];
	_ =	sdelay $0x4  }
0x107: {  	v0 =	vadd.f32 v1, v0;
	_ =	sdelay $0x1  }
0x108: {  	[tilespmem:s6+$0x50] =	vst v0;
	v0 =	vld [tilespmem:s6+$0x60]  }
0x109: {  	v1 =	vld [tilespmem:s19+$0x60];
	_ =	sdelay $0x4  }
0x10a: {  	v0 =	vadd.f32 v1, v0;
	_ =	sdelay $0x1  }
0x10b: {  	[tilespmem:s6+$0x60] =	vst v0;
	v0 =	vld [tilespmem:s6+$0x70]  }
0x10c: {  	v1 =	vld [tilespmem:s19+$0x70];
	_ =	sdelay $0x1  }
.Ltmp3:
0x10d: {  	(pc) =	sbr.rel @p0 .LBB2_5-.Ltmp3, $3  }
0x10e: {  	_ =	sdelay $0x1  }
0x10f: {  	v0 =	vadd.f32 v1, v0  }
0x110: {  	s6 =	sadd.s32 $0x100, s6  }
0x111: {  	s6 =	sadd.s32 s17, s3  }
0x112: {  	s6 =	smul.u32 $0x640, s6;
	_ =	sdelay $0x1  }
0x113: {  	s17 =	sadd.s32 s2, s6  }
0x114: {  	[tilespmem:s18+$0x70] =	vst v0;
	p0 =	seq.s32 s14, $0x1F;
	s6 =	sadd.s32 $0x640, s17  }
0x115: {  	[hbm4b:s6+s4] =	stream.linear.scatter [tilespmem:s16], [sflag:$0x6], $0x3200, $0x38;
	[tilespmem:$0x15E00] =	vst v63  }
0x116: {  	s7 =	smul.u32 @!p0 $0xC80, s14;
	s6 =	simm.s32 @!p0 $0x5  }
0x117: {  	_ =	swait.ge @!p0 [sflag:s6], $0x3200  }
0x118: {  	s19 =	simm.s32 @!p0 $0x9600;
	s18 =	sshra.s32 @!p0 s7, $0x2;
	[sflag:s6] =	ssyncset.done @!p0 $0x0  }
0x119: {  	s7 =	simm.s32 @!p0 $0x80;
	[sflag:s6] =	ssyncadd.s32 @!p0 $0xFFFFCE00;
	s6 =	sadd.s32 @!p0 $0x320, s18  }
0x11a: {  	[tilespmem:s19], [sflag:$0x1] =	stream.indirect.gather @!p0 [hbm4b:s5+s7], $0x40, s6, s7, $0xb8;
	[tilespmem:$0x15E00] =	vst v63  }
0x11b: {  	s6 =	sadd.s32 @!p0 $0x3A0, s18;
	s7 =	simm.s32 @!p0 $0x48;
	s19 =	simm.s32 @!p0 $0xB600  }
0x11c: {  	[tilespmem:s19], [sflag:$0x1] =	stream.indirect.gather @!p0 [hbm4b:s5+s7], $0x40, s6, s7, $0xb8;
	[tilespmem:$0x15E00] =	vst v63  }
0x11d: {  	_ =	swait.ge [sflag:s28], $0x2000  }
0x11e: {  	[sflag:s28] =	ssyncset.done $0x0  }
0x11f: {  	[sflag:s28] =	ssyncadd.s32 $0xFFFFE000  }
0x120: {  	_ =	swait.ge [sflag:s28], $0x1200  }
0x121: {  	[sflag:s28] =	ssyncset.done $0x0  }
0x122: {  	s19 =	simm.s32 $0xFA80;
	[sflag:s28] =	ssyncadd.s32 $0xFFFFEE00  }
0x123: {  	s21 =	simm.s32 $0x6480;
	v0 =	vld [tilespmem:s19+$0xFFFFFF80]  }
0x124: {  	v1 =	vld [tilespmem:s21+$0xFFFFFF80];
	_ =	sdelay $0x4  }
0x125: {  	v0 =	vadd.f32 v1, v0;
	_ =	sdelay $0x1  }
0x126: {  	[tilespmem:s19+$0xFFFFFF80] =	vst v0;
	v0 =	vld [tilespmem:s19+$0xFFFFFF90]  }
0x127: {  	v1 =	vld [tilespmem:s21+$0xFFFFFF90];
	_ =	sdelay $0x4  }
0x128: {  	v0 =	vadd.f32 v1, v0;
	_ =	sdelay $0x1  }
0x129: {  	[tilespmem:s19+$0xFFFFFF90] =	vst v0;
	v0 =	vld [tilespmem:s19+$0xFFFFFFA0]  }
0x12a: {  	v1 =	vld [tilespmem:s21+$0xFFFFFFA0];
	_ =	sdelay $0x4  }
0x12b: {  	v0 =	vadd.f32 v1, v0;
	_ =	sdelay $0x1  }
0x12c: {  	[tilespmem:s19+$0xFFFFFFA0] =	vst v0;
	v0 =	vld [tilespmem:s19+$0xFFFFFFB0]  }
0x12d: {  	v1 =	vld [tilespmem:s21+$0xFFFFFFB0];
	_ =	sdelay $0x4  }
0x12e: {  	v0 =	vadd.f32 v1, v0;
	_ =	sdelay $0x1  }
0x12f: {  	[tilespmem:s19+$0xFFFFFFB0] =	vst v0;
	v0 =	vld [tilespmem:s19+$0xFFFFFFC0]  }
0x130: {  	v1 =	vld [tilespmem:s21+$0xFFFFFFC0];
	_ =	sdelay $0x4  }
0x131: {  	v0 =	vadd.f32 v1, v0;
	_ =	sdelay $0x1  }
0x132: {  	[tilespmem:s19+$0xFFFFFFC0] =	vst v0;
	v0 =	vld [tilespmem:s19+$0xFFFFFFD0]  }
0x133: {  	v1 =	vld [tilespmem:s21+$0xFFFFFFD0];
	_ =	sdelay $0x4  }
0x134: {  	v0 =	vadd.f32 v1, v0;
	_ =	sdelay $0x1  }
0x135: {  	[tilespmem:s19+$0xFFFFFFD0] =	vst v0;
	v0 =	vld [tilespmem:s19+$0xFFFFFFE0]  }
0x136: {  	v1 =	vld [tilespmem:s21+$0xFFFFFFE0];
	_ =	sdelay $0x4  }
0x137: {  	v0 =	vadd.f32 v1, v0;
	_ =	sdelay $0x1  }
0x138: {  	[tilespmem:s19+$0xFFFFFFE0] =	vst v0;
	v0 =	vld [tilespmem:s19+$0xFFFFFFF0]  }
0x139: {  	v1 =	vld [tilespmem:s21+$0xFFFFFFF0];
	_ =	sdelay $0x4  }
0x13a: {  	v0 =	vadd.f32 v1, v0;
	_ =	sdelay $0x1  }
0x13b: {  	[tilespmem:s19+$0xFFFFFFF0] =	vst v0;
	v0 =	vld [tilespmem:s19+$0x0]  }
0x13c: {  	v1 =	vld [tilespmem:s21+$0x0];
	_ =	sdelay $0x4  }
0x13d: {  	v0 =	vadd.f32 v1, v0;
	_ =	sdelay $0x1  }
0x13e: {  	[tilespmem:s19+$0x0] =	vst v0;
	v0 =	vld [tilespmem:s19+$0x10]  }
0x13f: {  	v1 =	vld [tilespmem:s21+$0x10];
	_ =	sdelay $0x4  }
0x140: {  	v0 =	vadd.f32 v1, v0;
	_ =	sdelay $0x1  }
0x141: {  	[tilespmem:s19+$0x10] =	vst v0;
	v0 =	vld [tilespmem:s19+$0x20]  }
0x142: {  	v1 =	vld [tilespmem:s21+$0x20];
	_ =	sdelay $0x4  }
0x143: {  	v0 =	vadd.f32 v1, v0;
	_ =	sdelay $0x1  }
0x144: {  	[tilespmem:s19+$0x20] =	vst v0;
	v0 =	vld [tilespmem:s19+$0x30]  }
0x145: {  	v1 =	vld [tilespmem:s21+$0x30];
	_ =	sdelay $0x4  }
0x146: {  	v0 =	vadd.f32 v1, v0;
	_ =	sdelay $0x1  }
0x147: {  	[tilespmem:s19+$0x30] =	vst v0;
	v0 =	vld [tilespmem:s19+$0x40]  }
0x148: {  	v1 =	vld [tilespmem:s21+$0x40];
	_ =	sdelay $0x4  }
0x149: {  	v0 =	vadd.f32 v1, v0;
	_ =	sdelay $0x1  }
0x14a: {  	[tilespmem:s19+$0x40] =	vst v0;
	v0 =	vld [tilespmem:s19+$0x50]  }
0x14b: {  	v1 =	vld [tilespmem:s21+$0x50];
	_ =	sdelay $0x4  }
0x14c: {  	v0 =	vadd.f32 v1, v0;
	_ =	sdelay $0x1  }
0x14d: {  	[tilespmem:s19+$0x50] =	vst v0;
	v0 =	vld [tilespmem:s19+$0x60]  }
0x14e: {  	v1 =	vld [tilespmem:s21+$0x60];
	_ =	sdelay $0x4  }
0x14f: {  	v0 =	vadd.f32 v1, v0;
	_ =	sdelay $0x1  }
0x150: {  	[tilespmem:s19+$0x60] =	vst v0;
	v0 =	vld [tilespmem:s19+$0x70]  }
0x151: {  	v1 =	vld [tilespmem:s21+$0x70];
	_ =	sdelay $0x4  }
0x152: {  	v0 =	vadd.f32 v1, v0  }
0x153: {  	s6 =	simm.s32 $0x0;
	s7 =	simm.s32 $0xFB80  }
.LBB2_7:
0x154: {  	v1 =	vld [tilespmem:s7+$0xFFFFFF80];
	[tilespmem:s19+$0x70] =	vst v0;
	s21 =	sadd.s32 $0x100, s21;
	s19 =	smov.u32 s7  }
0x155: {  	s6 =	sadd.s32 $0x4, s6;
	v0 =	vld [tilespmem:s21+$0xFFFFFF80]  }
0x156: {  	p1 =	slt.u32 s6, $0xC4;
	_ =	sdelay $0x3  }
0x157: {  	v0 =	vadd.f32 v0, v1;
	_ =	sdelay $0x1  }
0x158: {  	[tilespmem:s7+$0xFFFFFF80] =	vst v0;
	v0 =	vld [tilespmem:s7+$0xFFFFFF90]  }
0x159: {  	v1 =	vld [tilespmem:s21+$0xFFFFFF90];
	_ =	sdelay $0x4  }
0x15a: {  	v0 =	vadd.f32 v1, v0;
	_ =	sdelay $0x1  }
0x15b: {  	[tilespmem:s7+$0xFFFFFF90] =	vst v0;
	v0 =	vld [tilespmem:s7+$0xFFFFFFA0]  }
0x15c: {  	v1 =	vld [tilespmem:s21+$0xFFFFFFA0];
	_ =	sdelay $0x4  }
0x15d: {  	v0 =	vadd.f32 v1, v0;
	_ =	sdelay $0x1  }
0x15e: {  	[tilespmem:s7+$0xFFFFFFA0] =	vst v0;
	v0 =	vld [tilespmem:s7+$0xFFFFFFB0]  }
0x15f: {  	v1 =	vld [tilespmem:s21+$0xFFFFFFB0];
	_ =	sdelay $0x4  }
0x160: {  	v0 =	vadd.f32 v1, v0;
	_ =	sdelay $0x1  }
0x161: {  	[tilespmem:s7+$0xFFFFFFB0] =	vst v0;
	v0 =	vld [tilespmem:s7+$0xFFFFFFC0]  }
0x162: {  	v1 =	vld [tilespmem:s21+$0xFFFFFFC0];
	_ =	sdelay $0x4  }
0x163: {  	v0 =	vadd.f32 v1, v0;
	_ =	sdelay $0x1  }
0x164: {  	[tilespmem:s7+$0xFFFFFFC0] =	vst v0;
	v0 =	vld [tilespmem:s7+$0xFFFFFFD0]  }
0x165: {  	v1 =	vld [tilespmem:s21+$0xFFFFFFD0];
	_ =	sdelay $0x4  }
0x166: {  	v0 =	vadd.f32 v1, v0;
	_ =	sdelay $0x1  }
0x167: {  	[tilespmem:s7+$0xFFFFFFD0] =	vst v0;
	v0 =	vld [tilespmem:s7+$0xFFFFFFE0]  }
0x168: {  	v1 =	vld [tilespmem:s21+$0xFFFFFFE0];
	_ =	sdelay $0x4  }
0x169: {  	v0 =	vadd.f32 v1, v0;
	_ =	sdelay $0x1  }
0x16a: {  	[tilespmem:s7+$0xFFFFFFE0] =	vst v0;
	v0 =	vld [tilespmem:s7+$0xFFFFFFF0]  }
0x16b: {  	v1 =	vld [tilespmem:s21+$0xFFFFFFF0];
	_ =	sdelay $0x4  }
0x16c: {  	v0 =	vadd.f32 v1, v0;
	_ =	sdelay $0x1  }
0x16d: {  	[tilespmem:s7+$0xFFFFFFF0] =	vst v0;
	v0 =	vld [tilespmem:s7+$0x0]  }
0x16e: {  	v1 =	vld [tilespmem:s21+$0x0];
	_ =	sdelay $0x4  }
0x16f: {  	v0 =	vadd.f32 v1, v0;
	_ =	sdelay $0x1  }
0x170: {  	[tilespmem:s7+$0x0] =	vst v0;
	v0 =	vld [tilespmem:s7+$0x10]  }
0x171: {  	v1 =	vld [tilespmem:s21+$0x10];
	_ =	sdelay $0x4  }
0x172: {  	v0 =	vadd.f32 v1, v0;
	_ =	sdelay $0x1  }
0x173: {  	[tilespmem:s7+$0x10] =	vst v0;
	v0 =	vld [tilespmem:s7+$0x20]  }
0x174: {  	v1 =	vld [tilespmem:s21+$0x20];
	_ =	sdelay $0x4  }
0x175: {  	v0 =	vadd.f32 v1, v0;
	_ =	sdelay $0x1  }
0x176: {  	[tilespmem:s7+$0x20] =	vst v0;
	v0 =	vld [tilespmem:s7+$0x30]  }
0x177: {  	v1 =	vld [tilespmem:s21+$0x30];
	_ =	sdelay $0x4  }
0x178: {  	v0 =	vadd.f32 v1, v0;
	_ =	sdelay $0x1  }
0x179: {  	[tilespmem:s7+$0x30] =	vst v0;
	v0 =	vld [tilespmem:s7+$0x40]  }
0x17a: {  	v1 =	vld [tilespmem:s21+$0x40];
	_ =	sdelay $0x4  }
0x17b: {  	v0 =	vadd.f32 v1, v0;
	_ =	sdelay $0x1  }
0x17c: {  	[tilespmem:s7+$0x40] =	vst v0;
	v0 =	vld [tilespmem:s7+$0x50]  }
0x17d: {  	v1 =	vld [tilespmem:s21+$0x50];
	_ =	sdelay $0x4  }
0x17e: {  	v0 =	vadd.f32 v1, v0;
	_ =	sdelay $0x1  }
0x17f: {  	[tilespmem:s7+$0x50] =	vst v0;
	v0 =	vld [tilespmem:s7+$0x60]  }
0x180: {  	v1 =	vld [tilespmem:s21+$0x60];
	_ =	sdelay $0x4  }
0x181: {  	v0 =	vadd.f32 v1, v0;
	_ =	sdelay $0x1  }
0x182: {  	[tilespmem:s7+$0x60] =	vst v0;
	v0 =	vld [tilespmem:s7+$0x70]  }
0x183: {  	v1 =	vld [tilespmem:s21+$0x70];
	_ =	sdelay $0x1  }
.Ltmp4:
0x184: {  	(pc) =	sbr.rel @p1 .LBB2_7-.Ltmp4, $3  }
0x185: {  	_ =	sdelay $0x1  }
0x186: {  	v0 =	vadd.f32 v1, v0  }
0x187: {  	s7 =	sadd.s32 $0x100, s7  }
0x188: {  	[tilespmem:s19+$0x70] =	vst v0;
	s6 =	sadd.s32 $0xC80, s17  }
0x189: {  	[hbm4b:s6+s4] =	stream.linear.scatter [tilespmem:s20], [sflag:$0x7], $0x3200, $0x38;
	[tilespmem:$0x15E00] =	vst v63  }
0x18a: {  	s6 =	simm.s32 @!p0 $0x6  }
0x18b: {  	_ =	swait.ge @!p0 [sflag:s6], $0x3200  }
0x18c: {  	s7 =	simm.s32 @!p0 $0x80;
	[sflag:s6] =	ssyncset.done @!p0 $0x0  }
0x18d: {  	s17 =	simm.s32 @!p0 $0xC800;
	[sflag:s6] =	ssyncadd.s32 @!p0 $0xFFFFCE00;
	s6 =	sadd.s32 @!p0 $0x3E8, s18  }
0x18e: {  	[tilespmem:s17], [sflag:$0x2] =	stream.indirect.gather @!p0 [hbm4b:s5+s7], $0x40, s6, s7, $0xb8;
	[tilespmem:$0x15E00] =	vst v63  }
0x18f: {  	s6 =	sadd.s32 @!p0 $0x468, s18;
	s7 =	simm.s32 @!p0 $0x48;
	s17 =	simm.s32 @!p0 $0xE800  }
0x190: {  	[tilespmem:s17], [sflag:$0x2] =	stream.indirect.gather @!p0 [hbm4b:s5+s7], $0x40, s6, s7, $0xb8;
	[tilespmem:$0x15E00] =	vst v63  }
0x191: {  	_ =	swait.ge [sflag:s29], $0x2000  }
0x192: {  	[sflag:s29] =	ssyncset.done $0x0  }
0x193: {  	[sflag:s29] =	ssyncadd.s32 $0xFFFFE000  }
0x194: {  	_ =	swait.ge [sflag:s29], $0x1200  }
0x195: {  	[sflag:s29] =	ssyncset.done $0x0  }
0x196: {  	s17 =	simm.s32 $0x12C80;
	[sflag:s29] =	ssyncadd.s32 $0xFFFFEE00  }
0x197: {  	s18 =	simm.s32 $0x6480;
	v0 =	vld [tilespmem:s17+$0xFFFFFF80]  }
0x198: {  	v1 =	vld [tilespmem:s18+$0xFFFFFF80];
	_ =	sdelay $0x4  }
0x199: {  	v0 =	vadd.f32 v1, v0;
	_ =	sdelay $0x1  }
0x19a: {  	[tilespmem:s17+$0xFFFFFF80] =	vst v0;
	v0 =	vld [tilespmem:s17+$0xFFFFFF90]  }
0x19b: {  	v1 =	vld [tilespmem:s18+$0xFFFFFF90];
	_ =	sdelay $0x4  }
0x19c: {  	v0 =	vadd.f32 v1, v0;
	_ =	sdelay $0x1  }
0x19d: {  	[tilespmem:s17+$0xFFFFFF90] =	vst v0;
	v0 =	vld [tilespmem:s17+$0xFFFFFFA0]  }
0x19e: {  	v1 =	vld [tilespmem:s18+$0xFFFFFFA0];
	_ =	sdelay $0x4  }
0x19f: {  	v0 =	vadd.f32 v1, v0;
	_ =	sdelay $0x1  }
0x1a0: {  	[tilespmem:s17+$0xFFFFFFA0] =	vst v0;
	v0 =	vld [tilespmem:s17+$0xFFFFFFB0]  }
0x1a1: {  	v1 =	vld [tilespmem:s18+$0xFFFFFFB0];
	_ =	sdelay $0x4  }
0x1a2: {  	v0 =	vadd.f32 v1, v0;
	_ =	sdelay $0x1  }
0x1a3: {  	[tilespmem:s17+$0xFFFFFFB0] =	vst v0;
	v0 =	vld [tilespmem:s17+$0xFFFFFFC0]  }
0x1a4: {  	v1 =	vld [tilespmem:s18+$0xFFFFFFC0];
	_ =	sdelay $0x4  }
0x1a5: {  	v0 =	vadd.f32 v1, v0;
	_ =	sdelay $0x1  }
0x1a6: {  	[tilespmem:s17+$0xFFFFFFC0] =	vst v0;
	v0 =	vld [tilespmem:s17+$0xFFFFFFD0]  }
0x1a7: {  	v1 =	vld [tilespmem:s18+$0xFFFFFFD0];
	_ =	sdelay $0x4  }
0x1a8: {  	v0 =	vadd.f32 v1, v0;
	_ =	sdelay $0x1  }
0x1a9: {  	[tilespmem:s17+$0xFFFFFFD0] =	vst v0;
	v0 =	vld [tilespmem:s17+$0xFFFFFFE0]  }
0x1aa: {  	v1 =	vld [tilespmem:s18+$0xFFFFFFE0];
	_ =	sdelay $0x4  }
0x1ab: {  	v0 =	vadd.f32 v1, v0;
	_ =	sdelay $0x1  }
0x1ac: {  	[tilespmem:s17+$0xFFFFFFE0] =	vst v0;
	v0 =	vld [tilespmem:s17+$0xFFFFFFF0]  }
0x1ad: {  	v1 =	vld [tilespmem:s18+$0xFFFFFFF0];
	_ =	sdelay $0x4  }
0x1ae: {  	v0 =	vadd.f32 v1, v0;
	_ =	sdelay $0x1  }
0x1af: {  	[tilespmem:s17+$0xFFFFFFF0] =	vst v0;
	v0 =	vld [tilespmem:s17+$0x0]  }
0x1b0: {  	v1 =	vld [tilespmem:s18+$0x0];
	_ =	sdelay $0x4  }
0x1b1: {  	v0 =	vadd.f32 v1, v0;
	_ =	sdelay $0x1  }
0x1b2: {  	[tilespmem:s17+$0x0] =	vst v0;
	v0 =	vld [tilespmem:s17+$0x10]  }
0x1b3: {  	v1 =	vld [tilespmem:s18+$0x10];
	_ =	sdelay $0x4  }
0x1b4: {  	v0 =	vadd.f32 v1, v0;
	_ =	sdelay $0x1  }
0x1b5: {  	[tilespmem:s17+$0x10] =	vst v0;
	v0 =	vld [tilespmem:s17+$0x20]  }
0x1b6: {  	v1 =	vld [tilespmem:s18+$0x20];
	_ =	sdelay $0x4  }
0x1b7: {  	v0 =	vadd.f32 v1, v0;
	_ =	sdelay $0x1  }
0x1b8: {  	[tilespmem:s17+$0x20] =	vst v0;
	v0 =	vld [tilespmem:s17+$0x30]  }
0x1b9: {  	v1 =	vld [tilespmem:s18+$0x30];
	_ =	sdelay $0x4  }
0x1ba: {  	v0 =	vadd.f32 v1, v0;
	_ =	sdelay $0x1  }
0x1bb: {  	[tilespmem:s17+$0x30] =	vst v0;
	v0 =	vld [tilespmem:s17+$0x40]  }
0x1bc: {  	v1 =	vld [tilespmem:s18+$0x40];
	_ =	sdelay $0x4  }
0x1bd: {  	v0 =	vadd.f32 v1, v0;
	_ =	sdelay $0x1  }
0x1be: {  	[tilespmem:s17+$0x40] =	vst v0;
	v0 =	vld [tilespmem:s17+$0x50]  }
0x1bf: {  	v1 =	vld [tilespmem:s18+$0x50];
	_ =	sdelay $0x4  }
0x1c0: {  	v0 =	vadd.f32 v1, v0;
	_ =	sdelay $0x1  }
0x1c1: {  	[tilespmem:s17+$0x50] =	vst v0;
	v0 =	vld [tilespmem:s17+$0x60]  }
0x1c2: {  	v1 =	vld [tilespmem:s18+$0x60];
	_ =	sdelay $0x4  }
0x1c3: {  	v0 =	vadd.f32 v1, v0;
	_ =	sdelay $0x1  }
0x1c4: {  	[tilespmem:s17+$0x60] =	vst v0;
	v0 =	vld [tilespmem:s17+$0x70]  }
0x1c5: {  	v1 =	vld [tilespmem:s18+$0x70];
	_ =	sdelay $0x4  }
0x1c6: {  	v0 =	vadd.f32 v1, v0  }
0x1c7: {  	s6 =	simm.s32 $0x0;
	s7 =	simm.s32 $0x12D80  }
.LBB2_9:
0x1c8: {  	v1 =	vld [tilespmem:s7+$0xFFFFFF80];
	[tilespmem:s17+$0x70] =	vst v0;
	s18 =	sadd.s32 $0x100, s18;
	s17 =	smov.u32 s7  }
0x1c9: {  	s6 =	sadd.s32 $0x4, s6;
	v0 =	vld [tilespmem:s18+$0xFFFFFF80]  }
0x1ca: {  	p1 =	slt.u32 s6, $0xC4;
	_ =	sdelay $0x3  }
0x1cb: {  	v0 =	vadd.f32 v0, v1;
	_ =	sdelay $0x1  }
0x1cc: {  	[tilespmem:s7+$0xFFFFFF80] =	vst v0;
	v0 =	vld [tilespmem:s7+$0xFFFFFF90]  }
0x1cd: {  	v1 =	vld [tilespmem:s18+$0xFFFFFF90];
	_ =	sdelay $0x4  }
0x1ce: {  	v0 =	vadd.f32 v1, v0;
	_ =	sdelay $0x1  }
0x1cf: {  	[tilespmem:s7+$0xFFFFFF90] =	vst v0;
	v0 =	vld [tilespmem:s7+$0xFFFFFFA0]  }
0x1d0: {  	v1 =	vld [tilespmem:s18+$0xFFFFFFA0];
	_ =	sdelay $0x4  }
0x1d1: {  	v0 =	vadd.f32 v1, v0;
	_ =	sdelay $0x1  }
0x1d2: {  	[tilespmem:s7+$0xFFFFFFA0] =	vst v0;
	v0 =	vld [tilespmem:s7+$0xFFFFFFB0]  }
0x1d3: {  	v1 =	vld [tilespmem:s18+$0xFFFFFFB0];
	_ =	sdelay $0x4  }
0x1d4: {  	v0 =	vadd.f32 v1, v0;
	_ =	sdelay $0x1  }
0x1d5: {  	[tilespmem:s7+$0xFFFFFFB0] =	vst v0;
	v0 =	vld [tilespmem:s7+$0xFFFFFFC0]  }
0x1d6: {  	v1 =	vld [tilespmem:s18+$0xFFFFFFC0];
	_ =	sdelay $0x4  }
0x1d7: {  	v0 =	vadd.f32 v1, v0;
	_ =	sdelay $0x1  }
0x1d8: {  	[tilespmem:s7+$0xFFFFFFC0] =	vst v0;
	v0 =	vld [tilespmem:s7+$0xFFFFFFD0]  }
0x1d9: {  	v1 =	vld [tilespmem:s18+$0xFFFFFFD0];
	_ =	sdelay $0x4  }
0x1da: {  	v0 =	vadd.f32 v1, v0;
	_ =	sdelay $0x1  }
0x1db: {  	[tilespmem:s7+$0xFFFFFFD0] =	vst v0;
	v0 =	vld [tilespmem:s7+$0xFFFFFFE0]  }
0x1dc: {  	v1 =	vld [tilespmem:s18+$0xFFFFFFE0];
	_ =	sdelay $0x4  }
0x1dd: {  	v0 =	vadd.f32 v1, v0;
	_ =	sdelay $0x1  }
0x1de: {  	[tilespmem:s7+$0xFFFFFFE0] =	vst v0;
	v0 =	vld [tilespmem:s7+$0xFFFFFFF0]  }
0x1df: {  	v1 =	vld [tilespmem:s18+$0xFFFFFFF0];
	_ =	sdelay $0x4  }
0x1e0: {  	v0 =	vadd.f32 v1, v0;
	_ =	sdelay $0x1  }
0x1e1: {  	[tilespmem:s7+$0xFFFFFFF0] =	vst v0;
	v0 =	vld [tilespmem:s7+$0x0]  }
0x1e2: {  	v1 =	vld [tilespmem:s18+$0x0];
	_ =	sdelay $0x4  }
0x1e3: {  	v0 =	vadd.f32 v1, v0;
	_ =	sdelay $0x1  }
0x1e4: {  	[tilespmem:s7+$0x0] =	vst v0;
	v0 =	vld [tilespmem:s7+$0x10]  }
0x1e5: {  	v1 =	vld [tilespmem:s18+$0x10];
	_ =	sdelay $0x4  }
0x1e6: {  	v0 =	vadd.f32 v1, v0;
	_ =	sdelay $0x1  }
0x1e7: {  	[tilespmem:s7+$0x10] =	vst v0;
	v0 =	vld [tilespmem:s7+$0x20]  }
0x1e8: {  	v1 =	vld [tilespmem:s18+$0x20];
	_ =	sdelay $0x4  }
0x1e9: {  	v0 =	vadd.f32 v1, v0;
	_ =	sdelay $0x1  }
0x1ea: {  	[tilespmem:s7+$0x20] =	vst v0;
	v0 =	vld [tilespmem:s7+$0x30]  }
0x1eb: {  	v1 =	vld [tilespmem:s18+$0x30];
	_ =	sdelay $0x4  }
0x1ec: {  	v0 =	vadd.f32 v1, v0;
	_ =	sdelay $0x1  }
0x1ed: {  	[tilespmem:s7+$0x30] =	vst v0;
	v0 =	vld [tilespmem:s7+$0x40]  }
0x1ee: {  	v1 =	vld [tilespmem:s18+$0x40];
	_ =	sdelay $0x4  }
0x1ef: {  	v0 =	vadd.f32 v1, v0;
	_ =	sdelay $0x1  }
0x1f0: {  	[tilespmem:s7+$0x40] =	vst v0;
	v0 =	vld [tilespmem:s7+$0x50]  }
0x1f1: {  	v1 =	vld [tilespmem:s18+$0x50];
	_ =	sdelay $0x4  }
0x1f2: {  	v0 =	vadd.f32 v1, v0;
	_ =	sdelay $0x1  }
0x1f3: {  	[tilespmem:s7+$0x50] =	vst v0;
	v0 =	vld [tilespmem:s7+$0x60]  }
0x1f4: {  	v1 =	vld [tilespmem:s18+$0x60];
	_ =	sdelay $0x4  }
0x1f5: {  	v0 =	vadd.f32 v1, v0;
	_ =	sdelay $0x1  }
0x1f6: {  	[tilespmem:s7+$0x60] =	vst v0;
	v0 =	vld [tilespmem:s7+$0x70]  }
0x1f7: {  	v1 =	vld [tilespmem:s18+$0x70];
	_ =	sdelay $0x1  }
.Ltmp5:
0x1f8: {  	(pc) =	sbr.rel @p1 .LBB2_9-.Ltmp5, $3  }
0x1f9: {  	_ =	sdelay $0x1  }
0x1fa: {  	v0 =	vadd.f32 v1, v0  }
0x1fb: {  	s7 =	sadd.s32 $0x100, s7  }
.Ltmp6:
0x1fc: {  	s6 =	sadd.s32 s3, s15;
	(pc) =	sbr.rel @p0 .LBB2_12-.Ltmp6, $3  }
0x1fd: {  	s6 =	smul.u32 $0x640, s6;
	_ =	sdelay $0x1  }
0x1fe: {  	[tilespmem:s17+$0x70] =	vst v0;
	s6 =	sadd.s32 s2, s6  }
0x1ff: {  	[hbm4b:s6+s4] =	stream.linear.scatter [tilespmem:s24], [sflag:$0x8], $0x3200, $0x38;
	[tilespmem:$0x15E00] =	vst v63  }
0x200: {  	s6 =	smul.u32 $0xC80, s14  }
0x201: {  	_ =	swait.ge [sflag:s1], $0x3200  }
.Ltmp7:
0x202: {  	[sflag:s1] =	ssyncset.done $0x0;
	s6 =	sshra.s32 s6, $0x2;
	(pc) =	sbr.rel .LBB2_2-.Ltmp7, $4  }
0x203: {  	[sflag:s1] =	ssyncadd.s32 $0xFFFFCE00;
	s7 =	sadd.s32 $0x4B0, s6  }
0x204: {  	[tilespmem:s20], [sflag:$0x3] =	stream.indirect.gather [hbm4b:s5+s11], $0x40, s7, s11, $0xb8;
	[tilespmem:$0x15E00] =	vst v63  }
0x205: {  	s14 =	sadd.s32 $0x1, s14;
	s6 =	sadd.s32 $0x530, s6  }
0x206: {  	[tilespmem:s22], [sflag:$0x3] =	stream.indirect.gather [hbm4b:s5+s13], $0x40, s6, s13, $0xb8;
	[tilespmem:$0x15E00] =	vst v63  }
.LBB2_13:
0x207: {  	_ =	sfence.sel $0x180000  }
0x208: {  	[bflag:$0x0] =	sbarrier.arrive $0xFFFF  }
0x209: {  	_ =	strace $0x90000047  }
0x20a: {  	s0 =	stileid.u32;
	[bflag:$0x2] =	sbarrier.arrive $0xFFFF  }
0x20b: {  	p0 =	sne.s32 s0, $0x0;
	s0 =	rddreg [dreg:$0x2]  }
0x20c: {  	s0 =	sadd.s32 @!p0 $0x100000, s0  }
0x20d: {  	[sflag:s0] =	ssyncadd.tile.s32 @!p0 $0x1;
	_ =	shalt  }
.Lfunc_end2:
_tile_overlayer_lowered:
.L_overlay_start_2:
0x20e: {  	(tag) =	ssettag $0x2  }
0x20f: {  	s0 =	rddreg [dreg:$0x0];
	s2 =	stileid.u32  }
0x210: {  	s1 =	rddreg [dreg:$0x1];
	p0 =	sne.s32 s2, $0x0  }
0x211: {  	s3 =	rddreg [dreg:$0x2];
	[bflag:$0x3] =	sbarrier.arrive $0xFFFF;
	s2 =	simm.s32 @!p0 $0x1C09  }
0x212: {  	[timem:s3], [sflag:s2] =	dma.local @!p0 [hbm:s0], s1  }
0x213: {  	s0 =	simm.s32 @!p0 $0x9  }
0x214: {  	_ =	swait.ge @!p0 [sflag:s0], s1  }
0x215: {  	s1 =	ssub.s32 @!p0 $0x0, s1;
	[sflag:s0] =	ssyncset.done @!p0 $0x0  }
0x216: {  	[sflag:s0] =	ssyncadd.s32 @!p0 s1  }
0x217: {  	[bflag:$0x3] =	sbarrier.arrive $0xFFFF  }
0x218: {  	_ =	shalt  }

// kernel: sparse-core-data-format-call.cloned.1.call-start
scs
called_computation_lowered:
.L_overlay_start_0:
0x0: {  	s2 =	sld [smem:$0x3FD9]  }
0x1: {  	s3 =	sld [smem:$0x3FFE];
	_ =	sdelay $0x1  }
0x2: {  	s1 =	srdreg.scid  }
0x3: {  	s0 =	sand.u32 $0x1, s1  }
0x4: {  	s18 =	sshll.u32 s0, $0xA;
	s2 =	sadd.s32 s3, s2  }
0x5: {  	s2 =	sadd.s32 s2, s18  }
0x6: {  	[smem:$0x3FC6] =	sst s2  }
0x7: {  	_ = 	snop  }
0x8: {  	s2 =	sld [smem:$0x3FD0];
	(tm) =	ssettm $0x1  }
0x9: {  	s19 =	sld [smem:$0x3FFB];
	_ =	sdelay $0x3  }
0xa: {  	_ =	strace s19  }
0xb: {  	s3 =	sld [smem:$0x3FFC];
	_ =	sdelay $0x3  }
0xc: {  	_ =	strace s3  }
0xd: {  	s3 =	sld [smem:$0x3FFD];
	_ =	sdelay $0x3  }
0xe: {  	_ =	strace s3  }
0xf: {  	_ =	strace $0x8FFFFFFF  }
0x10: {  	s20 =	sld [smem:$0x3FDB];
	_ =	sdelay $0x1  }
0x11: {  	s4 =	simm.s32 $_scs_section_size  }
0x12: {  	s5 =	simm.s32 $_size__tile_overlayer_lowered;
	s6 =	simm.s32 $_tile_overlayer_lowered  }
0x13: {  	s23 =	simm.s32 $0x1BFF;
	s22 =	sshll.u32 s6, $0x1;
	s3 =	sadd.s32 s4, s20  }
0x14: {  	s7 =	simm.s32 $0x0;
	s21 =	sshll.u32 s5, $0x1;
	s5 =	sadd.s32 s22, s3  }
0x15: {  	[timem:s7], [sflag:s23] =	dma.local [hbm:s5], s21  }
0x16: {  	_ =	swait.ge [sflag:s23], s21  }
0x17: {  	s4 =	ssub.s32 $0x0, s21;
	[sflag:s23] =	ssyncset.done $0x0  }
0x18: {  	[sflag:s23] =	ssyncadd.s32 s4;
	_ =	sdelay $0x1  }
0x19: {  	s24 =	simm.s32 $0x1B8B  }
0x1a: {  	_ =	swait.ge [sflag:s24], $0x1  }
0x1b: {  	[sflag:s24] =	ssyncset.done $0x0  }
0x1c: {  	s26 =	simm.s32 $0x1B8E;
	s25 =	sld [smem:$0x3FFE];
	[sflag:s24] =	ssyncadd.s32 $0xFFFFFFFF  }
0x1d: {  	s27 =	simm.s32 $execute0_lowered;
	[smem:$0x3FD2] =	sst s26  }
0x1e: {  	s5 =	sshll.u32 s27, $0x1;
	_ =	strace $0x80000049;
	[dreg:$0x1] =	wrdreg $0xFFFFFFFF  }
0x1f: {  	s28 =	simm.s32 $_size_execute0_lowered;
	s3 =	sadd.s32 s3, s5;
	[dreg:$0x0] =	wrdreg $0x0  }
0x20: {  	s5 =	sshll.u32 s28, $0x1;
	[dreg:$0x2] =	wrdreg s3  }
0x21: {  	[dreg:$0x3] =	wrdreg s5  }
0x22: {  	[dreg:$0x4] =	wrdreg $0xC0  }
0x23: {  	_ =	task [dreg:s7], $0x5FFFF  }
0x24: {  	[dreg:$0x1] =	wrdreg $0xFFFFFFFF  }
0x25: {  	[dreg:$0x0] =	wrdreg $0x60  }
0x26: {  	[dreg:$0x2] =	wrdreg s25  }
0x27: {  	[dreg:$0x3] =	wrdreg s2  }
0x28: {  	[dreg:$0x4] =	wrdreg $0x9  }
0x29: {  	_ =	task.clear_ibuf [dreg:s7], $0x5FFFF;
	_ =	strace $0x90000049  }
0x2a: {  	s29 =	simm.s32 $0x9;
	_ =	strace $0x8000004B  }
0x2b: {  	_ =	swait.ge [sflag:s29], $0x1  }
0x2c: {  	[sflag:s29] =	ssyncadd.s32 $0xFFFFFFFF  }
0x2d: {  	_ =	strace $0x9000004B  }
0x2e: {  	_ =	sfence  }
0x2f: {  	s30 =	sld [smem:$0x0];
	_ =	sdelay $0x2  }
0x30: {  	s31 =	sshll.u32 s1, $0xD;
	s1 =	sshrl.u32 s1, $0x2  }
0x31: {  	s3 =	sand.u32 $0x4000, s31;
	s1 =	sadd.s32 s1, s30  }
0x32: {  	s0 =	sor.u32 s3, s0;
	s1 =	sshll.u32 s1, $0x11  }
0x33: {  	s0 =	sor.u32 s1, s0  }
0x34: {  	s0 =	sadd.s32 $0x8F2B, s0  }
0x35: {  	[sflag:s0] =	ssyncadd.remote.s32 $0x1  }
0x36: {  	_ =	sfence.sel $0xFFFF  }
0x37: {  	[dreg:$0x0] =	wrdreg $0xFFFFFFFF;
	(pc) =	sbr.abs _section_cstart, $3  }
0x38: {  	[dreg:$0x1] =	wrdreg $0xFFFFFFFF  }
0x39: {  	_ =	task.clear_ibuf [dreg:s7], $0x2FFFF;
	_ =	strace $0x9FFFFFFF  }
0x3a: {  	(tm) =	ssettm $0x7FFFFFFF  }
0x3b: {  	_ =	shalt  }
tec
execute0_lowered:
.L_overlay_start_1:
0x0: {  	(tag) =	ssettag $0x1  }
0x1: {  	s0 =	srdreg.scid  }
0x2: {  	s1 =	sshll.u32 s0, $0x4  }
0x3: {  	s0 =	stileid.u32;
	s1 =	sand.u32 $0x10, s1  }
0x4: {  	s1 =	sor.u32 s0, s1  }
0x5: {  	s6 =	rddreg [dreg:$0x0];
	s4 =	simm.s32 $0x1;
	s2 =	sshll.u32 s1, $0x7  }
0x6: {  	s7 =	simm.s32 $0x2;
	s12 =	simm.s32 $0x0;
	s1 =	ssub.s32 $0x1000, s2  }
0x7: {  	s8 =	simm.s32 $0x8000;
	s13 =	simm.s32 $0x0;
	s3 =	sand.u32 $0xF80, s1  }
0x8: {  	s9 =	simm.s32 $0x0;
	s5 =	sshrl.u32 s1, $0xC;
	p0 =	sne.s32 s3, $0x0  }
.Ltmp0:
0x9: {  	s1 =	rddreg [dreg:$0x2];
	s4 =	simm.s32 @!p0 $0x0;
	(pc) =	sbr.rel .LBB1_1-.Ltmp0, $4  }
0xa: {  	s11 =	simm.s32 $0x0;
	s3 =	rddreg [dreg:$0x1];
	s5 =	sadd.s32 s4, s5  }
0xb: {  	_ =	strace $0x8000004A;
	s4 =	simm.s32 $0x1;
	s5 =	smul.u32 $0xC8, s5  }
0xc: {  	s6 =	sadd.s32 $0xC00, s6;
	s10 =	smov.u32 s2;
	[sflag:s4] =	ssyncpa.u1 $0x0  }
0xd: {  	p0 =	por $0x0, $0x0;
	[sflag:s7] =	ssyncpa.u1 $0x0;
	s7 =	sor.u32 $0x1, s5  }
.LBB1_4:
0xe: {  	s16 =	sshll.u32 s13, $0x3;
	s17 =	sand.u32 $0x78, s13  }
0xf: {  	s30 =	sand.u32 $0x7E00, s13;
	s12 =	sshll.u32 s12, $0xF;
	s16 =	sand.u32 $0xC00, s16  }
0x10: {  	[tilespmem:s15+$0x810 ss:$0x81] =	vst.msk $0xffff, v2;
	s31 =	sand.u32 $0x7, s13;
	s16 =	sor.u32 s17, s16;
	s17 =	sadd.s32 s3, s30  }
0x11: {  	[tilespmem:s15+$0x1020 ss:$0x81] =	vst.msk $0xffff, v0;
	s13 =	sshll.u32 s31, $0x12;
	s12 =	sadd.s32 s12, s17;
	s16 =	sshrl.u32 s16, $0x3  }
0x12: {  	[tilespmem:s15+$0x0 ss:$0x81] =	vst.msk $0xffff, v1;
	s13 =	sor.u32 $0x400, s13;
	s12 =	sadd.s32 s16, s12  }
0x13: {  	[hbm4b:s12+s13] =	stream.strided.scatter [tilespmem:s14], [sflag:$0x2], $0x2000, s8, s13, $0x20;
	[tilespmem:$0x8080] =	vst v63  }
.LBB1_5:
0x14: {  	s14 =	sadd.s32 $0x1, s9  }
0x15: {  	s12 =	sadd.s32 $0x1000, s10;
	s16 =	smov.u32 s10;
	p2 =	sgt.s32 s14, $0xC7  }
0x16: {  	s16 =	smov.u32 @p2 s12  }
0x17: {  	s14 =	simm.s32 @p2 $0x0;
	p2 =	sgt.s32 s16, $0xFFF  }
0x18: {  	s16 =	smov.u32 @p2 s2;
	p2 =	sne.s32 s11, s7  }
.Ltmp1:
0x19: {  	p1 =	slt.u32 s11, $0x2;
	(pc) =	sbr.rel @!p2 .LBB1_6-.Ltmp1, $4  }
0x1a: {  	s15 =	simm.s32 @!p1 $0x2  }
0x1b: {  	s13 =	smov.u32 s10;
	p0 =	por !p0, !p0;
	_ =	swait.ge @!p1 [sflag:s15], $0x2000  }
0x1c: {  	s12 =	smov.u32 s9;
	[sflag:s15] =	ssyncset.done @!p1 $0x0;
	s9 =	smov.u32 s14  }
0x1d: {  	s11 =	sadd.s32 $0x1, s11;
	[sflag:s15] =	ssyncadd.s32 @!p1 $0xFFFFE000;
	s10 =	smov.u32 s16  }
.LBB1_1:
0x1e: {  	p1 =	sge.u32 s11, s5  }
0x1f: {  	s14 =	sand.u32 @!p1 $0x1FFFFFF, s9  }
0x20: {  	s15 =	smulhi.u32 @!p1 $0x147AE15, s14;
	_ =	sdelay $0x1  }
0x21: {  	s15 =	smul.u32 @!p1 $0xC8, s15  }
0x22: {  	s16 =	sxor.u32 @!p1 $0xFFFFFFFF, s11;
	s17 =	smul.u32 @!p1 $0xC80, s10  }
0x23: {  	s31 =	sadd.s32 $0xFFFFFFFF, s11;
	s16 =	sshll.u32 @!p1 s16, $0xD;
	s14 =	ssub.s32 @!p1 s14, s15  }
0x24: {  	s15 =	sand.u32 @!p1 $0x2000, s16;
	s16 =	sadd.s32 @!p1 s6, s17;
	s14 =	sshll.u32 @!p1 s14, $0x4  }
0x25: {  	s17 =	simm.s32 @!p1 $0x6400;
	s14 =	sadd.s32 @!p1 s14, s16;
	s16 =	simm.s32 @!p1 $0x40  }
0x26: {  	[tilespmem:s15], [sflag:$0x1] =	stream.strided.gather @!p1 [hbm4b:s14+s16], $0x2000, s17, s16, $0x38;
	[tilespmem:$0x8080] =	vst v63  }
0x27: {  	p1 =	sge.u32 s31, s5  }
.Ltmp2:
0x28: {  	_ = 	snop;
	(pc) =	sbr.rel @p1 .LBB1_5-.Ltmp2, $1  }
0x29: {  	_ =	sdelay $0x3  }
0x2a: {  	s14 =	simm.s32 $0x1  }
0x2b: {  	_ =	swait.ge [sflag:s4], $0x2000;
	s14 =	simm.s32 @!p0 $0x0  }
0x2c: {  	[sflag:s4] =	ssyncset.done $0x0;
	s15 =	sshll.u32 s14, $0xD  }
0x2d: {  	[sflag:s4] =	ssyncadd.s32 $0xFFFFE000;
	s18 =	sor.u32 $0x20, s15  }
0x2e: {  	s14 =	smul.u32 $0x8100, s14;
	v3 =	vld [tilespmem:s18+$0x10]  }
0x2f: {  	s30 =	sand.u32 $0x1, s11;
	v2 =	vld [tilespmem:s18+$0xFFFFFFF0]  }
0x30: {  	s15 =	smul.u32 $0x8100, s30;
	s14 =	sshrl.u32 s14, $0x2;
	v0 =	vld [tilespmem:s18+$0x0]  }
0x31: {  	v1 =	vld [tilespmem:s18+$0xFFFFFFE0];
	s16 =	sor.u32 $0x4000, s14  }
0x32: {  	s31 =	sshrl.u32 s15, $0x2;
	s15 =	sadd.s32 $0x0, s16  }
0x33: {  	s17 =	simm.s32 $0x4;
	s18 =	sadd.s32 $0x40, s18;
	s14 =	sor.u32 $0x4000, s31;
	[tilespmem:s15+$0x1830 ss:$0x81] =	vst.msk $0xffff, v3  }
.LBB1_3:
0x34: {  	v3 =	vld [tilespmem:s18+$0x10];
	p1 =	sne.s32 s17, $0x1FC;
	[tilespmem:s15+$0x810 ss:$0x81] =	vst.msk $0xffff, v2;
	s19 =	smov.u32 s17;
	s17 =	sadd.s32 $0x4, s17  }
.Ltmp3:
0x35: {  	v2 =	vld [tilespmem:s18+$0xFFFFFFF0];
	[tilespmem:s15+$0x1020 ss:$0x81] =	vst.msk $0xffff, v0;
	(pc) =	sbr.rel @p1 .LBB1_3-.Ltmp3, $4  }
0x36: {  	v0 =	vld [tilespmem:s18+$0x0];
	[tilespmem:s15+$0x0 ss:$0x81] =	vst.msk $0xffff, v1  }
0x37: {  	s15 =	sshra.s32 s19, $0x2;
	v1 =	vld [tilespmem:s18+$0xFFFFFFE0]  }
0x38: {  	s15 =	sadd.s32 s15, s16  }
0x39: {  	s18 =	sadd.s32 $0x40, s18;
	[tilespmem:s15+$0x1830 ss:$0x81] =	vst.msk $0xffff, v3  }
.Ltmp4:
0x3a: {  	_ = 	snop;
	(pc) =	sbr.rel .LBB1_4-.Ltmp4, $1  }
0x3b: {  	_ =	sdelay $0x3  }
.LBB1_6:
0x3c: {  	_ =	sfence.sel $0x180000  }
0x3d: {  	s2 =	simm.s32 $0x1;
	[bflag:$0x0] =	sbarrier.arrive $0xFFFF  }
0x3e: {  	s31 =	simm.s32 $0x2;
	[sflag:s2] =	ssyncpa.u1 $0x1  }
0x3f: {  	[sflag:s31] =	ssyncpa.u1 $0x1  }
0x40: {  	p0 =	sne.s32 s0, $0x0;
	_ =	strace $0x9000004A  }
0x41: {  	s0 =	sadd.s32 @!p0 $0x100000, s1;
	[bflag:$0x2] =	sbarrier.arrive $0xFFFF  }
0x42: {  	[sflag:s0] =	ssyncadd.tile.s32 @!p0 $0x1;
	_ =	shalt  }
.Lfunc_end1:
_tile_overlayer_lowered:
.L_overlay_start_2:
0x43: {  	(tag) =	ssettag $0x2  }
0x44: {  	s0 =	rddreg [dreg:$0x0];
	s2 =	stileid.u32  }
0x45: {  	s1 =	rddreg [dreg:$0x1];
	p0 =	sne.s32 s2, $0x0  }
0x46: {  	s3 =	rddreg [dreg:$0x2];
	[bflag:$0x3] =	sbarrier.arrive $0xFFFF;
	s2 =	simm.s32 @!p0 $0x1C01  }
0x47: {  	[timem:s3], [sflag:s2] =	dma.local @!p0 [hbm:s0], s1  }
0x48: {  	s0 =	simm.s32 @!p0 $0x1  }
0x49: {  	_ =	swait.ge @!p0 [sflag:s0], s1  }
0x4a: {  	s1 =	ssub.s32 @!p0 $0x0, s1;
	[sflag:s0] =	ssyncset.done @!p0 $0x0  }
0x4b: {  	[sflag:s0] =	ssyncadd.s32 @!p0 s1  }
0x4c: {  	[bflag:$0x3] =	sbarrier.arrive $0xFFFF  }
0x4d: {  	_ =	shalt  }

</sc_bundles>
